<compile_context>
chip_gen: v7x
topology: tpu7x:2x2x1
jax: 0.10.2.dev20260603
libtpu: 0.0.44.dev20260713+nightly
codegen_flags: <defaults>
</compile_context>

<pallas_src>
import jax
import jax.numpy as jnp
from jax import lax
from jax.experimental import pallas as pl
from jax.experimental.pallas import tpu as pltpu
from jax.experimental.pallas import tpu_sc as plsc

N = 10000
D = 128
NC = 2
NS = 16
CH = 128
K0 = 96
K1 = 61
KM = max(K0, K1)
E0 = NS * K0 * CH
E1CAP = NS * K1 * CH
NPAD = 10112
RPT = NPAD // NS
DEGW = 16

_mesh = plsc.VectorSubcoreMesh(core_axis_name="c", subcore_axis_name="s",
                               num_cores=NC, num_subcores=NS)



def _deg_body(dst_hbm, ones_hbm, zdeg_hbm, degw_hbm, dstv, onesv, acc):
    cid = lax.axis_index("c")
    tid = lax.axis_index("s")
    pltpu.sync_copy(dst_hbm.at[cid, tid], dstv)
    pltpu.sync_copy(ones_hbm, onesv)
    base = tid * RPT
    pltpu.sync_copy(zdeg_hbm, acc.at[pl.ds(base, RPT)])
    plsc.subcore_barrier()

    def chunk(j, _):
        pltpu.sync_copy(onesv, acc.at[dstv.at[j]], add=True)
        return 0

    lax.fori_loop(0, KM, chunk, 0)
    plsc.subcore_barrier()
    pltpu.sync_copy(acc.at[pl.ds(base, RPT)], degw_hbm.at[cid, pl.ds(base, RPT)])


_deg_call = pl.kernel(
    _deg_body,
    out_type=jax.ShapeDtypeStruct((NC, NPAD, DEGW), jnp.float32),
    mesh=_mesh,
    scratch_types=[
        pltpu.VMEM((KM, CH), jnp.int32),
        pltpu.VMEM((CH, DEGW), jnp.float32),
        pltpu.VMEM_SHARED((NPAD, DEGW), jnp.float32),
    ],
)


def _scat_body(g_hbm, src_hbm, dst_hbm, zrows_hbm, s_hbm, srcv, dstv, rows,
               acc):
    cid = lax.axis_index("c")
    tid = lax.axis_index("s")
    pltpu.sync_copy(src_hbm.at[cid, tid], srcv)
    pltpu.sync_copy(dst_hbm.at[cid, tid], dstv)
    base = tid * RPT
    pltpu.sync_copy(zrows_hbm, acc.at[pl.ds(base, RPT)])
    plsc.subcore_barrier()

    def chunk(j, _):
        pltpu.sync_copy(g_hbm.at[srcv.at[j]], rows)
        pltpu.sync_copy(rows, acc.at[dstv.at[j]], add=True)
        return 0

    lax.fori_loop(0, KM, chunk, 0)
    plsc.subcore_barrier()
    pltpu.sync_copy(acc.at[pl.ds(base, RPT)], s_hbm.at[cid, pl.ds(base, RPT)])


_scat_call = pl.kernel(
    _scat_body,
    out_type=jax.ShapeDtypeStruct((NC, NPAD, D), jnp.float32),
    mesh=_mesh,
    scratch_types=[
        pltpu.VMEM((KM, CH), jnp.int32),
        pltpu.VMEM((KM, CH), jnp.int32),
        pltpu.VMEM((CH, D), jnp.float32),
        pltpu.VMEM_SHARED((NPAD, D), jnp.float32),
    ],
)



def _pre_body(degw_ref, x_ref, w_ref, dinv_ref, g_ref):
    t = degw_ref[...]
    deg = t[0, 0:N, 0:1] + t[1, 0:N, 0:1] + 1.0
    dinv = 1.0 / jnp.sqrt(deg)
    dinv_ref[...] = dinv
    g_ref[...] = dinv * jnp.dot(x_ref[...], w_ref[...],
                                preferred_element_type=jnp.float32)


def _mid_body(s_ref, g_ref, dinv_ref, b_ref, gm_ref, bt_ref, w_ref, h_ref,
              gn_ref, hp_ref=None):
    g = g_ref[...]
    s = s_ref[...]
    dinv = dinv_ref[...]
    o = dinv * (s[0, 0:N, :] + s[1, 0:N, :] + g) + b_ref[...]
    mu = jnp.mean(o, axis=0, keepdims=True)
    xc = o - mu
    var = jnp.mean(xc * xc, axis=0, keepdims=True)
    bn = gm_ref[...] * xc / jnp.sqrt(var + 1e-5) + bt_ref[...]
    h = jnp.maximum(bn, 0.0)
    if hp_ref is not None:
        h = hp_ref[...] + h
    h_ref[...] = h
    gn_ref[...] = dinv * jnp.dot(h, w_ref[...],
                                 preferred_element_type=jnp.float32)


def _mid_body_resid(s_ref, g_ref, dinv_ref, b_ref, gm_ref, bt_ref, hp_ref,
                    w_ref, h_ref, gn_ref):
    _mid_body(s_ref, g_ref, dinv_ref, b_ref, gm_ref, bt_ref, w_ref, h_ref,
              gn_ref, hp_ref=hp_ref)


def _fin_body(s_ref, g_ref, dinv_ref, b_ref, gm_ref, bt_ref, hp_ref, out_ref):
    g = g_ref[...]
    s = s_ref[...]
    o = dinv_ref[...] * (s[0, 0:N, :] + s[1, 0:N, :] + g) + b_ref[...]
    mu = jnp.mean(o, axis=0, keepdims=True)
    xc = o - mu
    var = jnp.mean(xc * xc, axis=0, keepdims=True)
    bn = gm_ref[...] * xc / jnp.sqrt(var + 1e-5) + bt_ref[...]
    out_ref[...] = hp_ref[...] + bn


_pre_call = pl.pallas_call(
    _pre_body,
    out_shape=[jax.ShapeDtypeStruct((N, 1), jnp.float32),
               jax.ShapeDtypeStruct((N, D), jnp.float32)],
)

_mid_call0 = pl.pallas_call(
    _mid_body,
    out_shape=[jax.ShapeDtypeStruct((N, D), jnp.float32),
               jax.ShapeDtypeStruct((N, D), jnp.float32)],
)

_mid_call1 = pl.pallas_call(
    _mid_body_resid,
    out_shape=[jax.ShapeDtypeStruct((N, D), jnp.float32),
               jax.ShapeDtypeStruct((N, D), jnp.float32)],
)

_fin_call = pl.pallas_call(
    _fin_body,
    out_shape=jax.ShapeDtypeStruct((N, D), jnp.float32),
)


def kernel(x, edge_index, W0, b0, gamma0, beta0, W1, b1, gamma1, beta1,
           W2, b2, gamma2, beta2):
    src = edge_index[0]
    dst = edge_index[1]
    e = src.shape[0]
    pad1 = E1CAP - (e - E0)
    padm = NS * (KM - K1) * CH
    sp = NPAD - N
    dpad1 = N + (jnp.arange(pad1, dtype=jnp.int32) % sp)
    dpadm = N + (jnp.arange(padm, dtype=jnp.int32) % sp)
    src0 = src[:E0].reshape(NS, K0, CH)
    dst0 = dst[:E0].reshape(NS, K0, CH)
    src1 = jnp.concatenate(
        [jnp.concatenate([src[E0:], jnp.zeros((pad1,), jnp.int32)]
                         ).reshape(NS, K1, CH),
         jnp.zeros((padm,), jnp.int32).reshape(NS, KM - K1, CH)], axis=1)
    dst1 = jnp.concatenate(
        [jnp.concatenate([dst[E0:], dpad1]).reshape(NS, K1, CH),
         dpadm.reshape(NS, KM - K1, CH)], axis=1)
    src4 = jnp.stack([src0, src1])
    dst4 = jnp.stack([dst0, dst1])
    ones_d = jnp.ones((CH, DEGW), jnp.float32)
    zdeg = jnp.zeros((RPT, DEGW), jnp.float32)
    zrows = jnp.zeros((RPT, D), jnp.float32)
    b0r, b1r, b2r = (v.reshape(1, D) for v in (b0, b1, b2))
    gm0, gm1, gm2 = (v.reshape(1, D) for v in (gamma0, gamma1, gamma2))
    bt0, bt1, bt2 = (v.reshape(1, D) for v in (beta0, beta1, beta2))

    degw = _deg_call(dst4, ones_d, zdeg)
    dinv, g0 = _pre_call(degw, x, W0)
    s0 = _scat_call(g0, src4, dst4, zrows)
    h1, g1 = _mid_call0(s0, g0, dinv, b0r, gm0, bt0, W1)
    s1 = _scat_call(g1, src4, dst4, zrows)
    h2, g2 = _mid_call1(s1, g1, dinv, b1r, gm1, bt1, h1, W2)
    s2 = _scat_call(g2, src4, dst4, zrows)
    return _fin_call(s2, g2, dinv, b2r, gm2, bt2, h2)

# --- scband reference (transcript-rebuilt; emitter-appended) ---
"""Pipeline reference for scband-causal-gnn-59253368815959 (READ-ONLY COPY).

The authoritative reference and input builder live on the scoring server;
editing this copy changes nothing except your own understanding.
"""

import jax, jax.numpy as jnp
import numpy as np

N = 10000
E = 320000
D_IN = 128
D_H = 128
D_OUT = 128


def setup_inputs(seed: int = 0) -> dict:
    key = jax.random.key(seed)
    ks = [jax.random.fold_in(key, i) for i in range(16)]
    inp = {}
    inp["x"] = jax.random.normal(ks[0], (N, D_IN), dtype=jnp.float32)
    inp["edge_index"] = jax.random.randint(ks[1], (2, E), 0, N, dtype=jnp.int32)
    dims = [(D_IN, D_H), (D_H, D_H), (D_H, D_OUT)]
    for i, (di, do) in enumerate(dims):
        inp[f"W{i}"] = jax.random.normal(ks[2 + i], (di, do), dtype=jnp.float32) * (1.0 / np.sqrt(di))
        inp[f"b{i}"] = jnp.zeros((do,), dtype=jnp.float32)
        inp[f"gamma{i}"] = jnp.ones((do,), dtype=jnp.float32)
        inp[f"beta{i}"] = jnp.zeros((do,), dtype=jnp.float32)
    return inp


def gcn_conv(x, src, dst, W, b):
    # PyG GCNConv: add self-loops, symmetric normalization, linear transform, scatter-add to dst
    n = x.shape[0]
    loop = jnp.arange(n, dtype=src.dtype)
    s = jnp.concatenate([src, loop])
    d = jnp.concatenate([dst, loop])
    deg = jnp.zeros((n,), x.dtype).at[d].add(1.0)
    dinv = jnp.where(deg > 0, 1.0 / jnp.sqrt(deg), 0.0)
    norm = dinv[s] * dinv[d]
    h = x @ W
    out = jnp.zeros((n, W.shape[1]), x.dtype).at[d].add(h[s] * norm[:, None])
    return out + b


def batch_norm(x, gamma, beta, eps=1e-5):
    mu = jnp.mean(x, axis=0)
    var = jnp.var(x, axis=0)
    return gamma * (x - mu) / jnp.sqrt(var + eps) + beta


def reference(x, edge_index, W0, b0, gamma0, beta0, W1, b1, gamma1, beta1, W2, b2, gamma2, beta2):
    src = edge_index[0]
    dst = edge_index[1]
    params = [(W0, b0, gamma0, beta0), (W1, b1, gamma1, beta1), (W2, b2, gamma2, beta2)]
    h = x
    n_layers = len(params)
    for i, (W, b, g, be) in enumerate(params):
        h_new = gcn_conv(h, src, dst, W, b)
        h_new = batch_norm(h_new, g, be)
        if i < n_layers - 1:
            h_new = jax.nn.relu(h_new)
            # dropout disabled (eval mode)
        if i > 0 and h.shape[1] == h_new.shape[1]:
            h = h + h_new
        else:
            h = h_new
    return h

if __name__ == "__main__":
    import jax
    _d = setup_inputs()
    print(jax.jit(kernel)(*tuple(_d.values())))

</pallas_src>

<mosaic_0001>
#map = affine_map<(d0, d1) -> (0, 0)>
#map1 = affine_map<(d0, d1) -> (0, 0, 0, 0)>
#map2 = affine_map<(d0, d1) -> (0, 0, 0)>
module attributes {stable_mosaic.version = 14 : i64} {
  func.func @_scat_body(%arg0: i32, %arg1: i32, %arg2: memref<10000x128xf32, #tpu.memory_space<hbm>>, %arg3: memref<2x16x96x128xi32, #tpu.memory_space<hbm>>, %arg4: memref<2x16x96x128xi32, #tpu.memory_space<hbm>>, %arg5: memref<632x128xf32, #tpu.memory_space<hbm>>, %arg6: memref<2x10112x128xf32, #tpu.memory_space<hbm>>, %arg7: memref<96x128xi32, #tpu.memory_space<vmem>>, %arg8: memref<96x128xi32, #tpu.memory_space<vmem>>, %arg9: memref<128x128xf32, #tpu.memory_space<vmem>>, %arg10: memref<10112x128xf32, #tpu.memory_space<vmem_shared>>) attributes {dimension_semantics = [#tpu.dimension_semantics<core_parallel>, #tpu.dimension_semantics<subcore_parallel>], iteration_bounds = array<i64: 2, 16>, scalar_prefetch = 0 : i64, scratch_operands = 4 : i64, tpu.core_type = #tpu.core_type<sc_vector_subcore>, window_params = [{transform_indices = #map}, {transform_indices = #map1}, {transform_indices = #map1}, {transform_indices = #map}, {transform_indices = #map2}]} {
    "tpu.region"() ({
      %run_scoped3A = tpu.sem_alloc : memref<!tpu.dma_semaphore, #tpu.memory_space<semaphore_mem>>
      %dma_start3A = arith.constant 0 : i32
      %dma_start3A_8 = arith.constant 0 : i32
      %dma_start3A_9 = tpu.memref_slice %arg3[%arg0, %arg1, %dma_start3A, %dma_start3A_8] : memref<2x16x96x128xi32, #tpu.memory_space<hbm>> -> memref<1x1x96x128xi32, #tpu.memory_space<hbm>>
      %dma_start3A_10 = tpu.memref_squeeze %dma_start3A_9 : memref<1x1x96x128xi32, #tpu.memory_space<hbm>> -> memref<96x128xi32, #tpu.memory_space<hbm>>
      %dma_start3A_11 = arith.constant 0 : i32
      %dma_start3A_12 = arith.constant 0 : i32
      %dma_start3A_13 = tpu.memref_slice %arg3[%arg0, %arg1, %dma_start3A_11, %dma_start3A_12] : memref<2x16x96x128xi32, #tpu.memory_space<hbm>> -> memref<1x1x96x128xi32, #tpu.memory_space<hbm>>
      %dma_start3A_14 = tpu.memref_squeeze %dma_start3A_13 : memref<1x1x96x128xi32, #tpu.memory_space<hbm>> -> memref<96x128xi32, #tpu.memory_space<hbm>>
      tpu.enqueue_dma source(%dma_start3A_14 : memref<96x128xi32, #tpu.memory_space<hbm>>) target(%arg7 : memref<96x128xi32, #tpu.memory_space<vmem>>) target_semaphore(%run_scoped3A : memref<!tpu.dma_semaphore, #tpu.memory_space<semaphore_mem>>)
      %dma_wait3A = arith.constant 0 : i32
      %dma_wait3A_15 = arith.constant 0 : i32
      %dma_wait3A_16 = tpu.memref_slice %arg3[%arg0, %arg1, %dma_wait3A, %dma_wait3A_15] : memref<2x16x96x128xi32, #tpu.memory_space<hbm>> -> memref<1x1x96x128xi32, #tpu.memory_space<hbm>>
      %dma_wait3A_17 = tpu.memref_squeeze %dma_wait3A_16 : memref<1x1x96x128xi32, #tpu.memory_space<hbm>> -> memref<96x128xi32, #tpu.memory_space<hbm>>
      %dma_wait3A_18 = arith.constant 0 : i32
      %dma_wait3A_19 = arith.constant 0 : i32
      %dma_wait3A_20 = tpu.memref_slice %arg3[%arg0, %arg1, %dma_wait3A_18, %dma_wait3A_19] : memref<2x16x96x128xi32, #tpu.memory_space<hbm>> -> memref<1x1x96x128xi32, #tpu.memory_space<hbm>>
      %dma_wait3A_21 = tpu.memref_squeeze %dma_wait3A_20 : memref<1x1x96x128xi32, #tpu.memory_space<hbm>> -> memref<96x128xi32, #tpu.memory_space<hbm>>
      tpu.wait_dma2 semaphore(%run_scoped3A : memref<!tpu.dma_semaphore, #tpu.memory_space<semaphore_mem>>) src(%dma_wait3A_21 : memref<96x128xi32, #tpu.memory_space<hbm>>) dst(%arg7 : memref<96x128xi32, #tpu.memory_space<vmem>>)
      tpu.yield
    }) : () -> ()
    "tpu.region"() ({
      %run_scoped3A = tpu.sem_alloc : memref<!tpu.dma_semaphore, #tpu.memory_space<semaphore_mem>>
      %dma_start3A = arith.constant 0 : i32
      %dma_start3A_8 = arith.constant 0 : i32
      %dma_start3A_9 = tpu.memref_slice %arg4[%arg0, %arg1, %dma_start3A, %dma_start3A_8] : memref<2x16x96x128xi32, #tpu.memory_space<hbm>> -> memref<1x1x96x128xi32, #tpu.memory_space<hbm>>
      %dma_start3A_10 = tpu.memref_squeeze %dma_start3A_9 : memref<1x1x96x128xi32, #tpu.memory_space<hbm>> -> memref<96x128xi32, #tpu.memory_space<hbm>>
      %dma_start3A_11 = arith.constant 0 : i32
      %dma_start3A_12 = arith.constant 0 : i32
      %dma_start3A_13 = tpu.memref_slice %arg4[%arg0, %arg1, %dma_start3A_11, %dma_start3A_12] : memref<2x16x96x128xi32, #tpu.memory_space<hbm>> -> memref<1x1x96x128xi32, #tpu.memory_space<hbm>>
      %dma_start3A_14 = tpu.memref_squeeze %dma_start3A_13 : memref<1x1x96x128xi32, #tpu.memory_space<hbm>> -> memref<96x128xi32, #tpu.memory_space<hbm>>
      tpu.enqueue_dma source(%dma_start3A_14 : memref<96x128xi32, #tpu.memory_space<hbm>>) target(%arg8 : memref<96x128xi32, #tpu.memory_space<vmem>>) target_semaphore(%run_scoped3A : memref<!tpu.dma_semaphore, #tpu.memory_space<semaphore_mem>>)
      %dma_wait3A = arith.constant 0 : i32
      %dma_wait3A_15 = arith.constant 0 : i32
      %dma_wait3A_16 = tpu.memref_slice %arg4[%arg0, %arg1, %dma_wait3A, %dma_wait3A_15] : memref<2x16x96x128xi32, #tpu.memory_space<hbm>> -> memref<1x1x96x128xi32, #tpu.memory_space<hbm>>
      %dma_wait3A_17 = tpu.memref_squeeze %dma_wait3A_16 : memref<1x1x96x128xi32, #tpu.memory_space<hbm>> -> memref<96x128xi32, #tpu.memory_space<hbm>>
      %dma_wait3A_18 = arith.constant 0 : i32
      %dma_wait3A_19 = arith.constant 0 : i32
      %dma_wait3A_20 = tpu.memref_slice %arg4[%arg0, %arg1, %dma_wait3A_18, %dma_wait3A_19] : memref<2x16x96x128xi32, #tpu.memory_space<hbm>> -> memref<1x1x96x128xi32, #tpu.memory_space<hbm>>
      %dma_wait3A_21 = tpu.memref_squeeze %dma_wait3A_20 : memref<1x1x96x128xi32, #tpu.memory_space<hbm>> -> memref<96x128xi32, #tpu.memory_space<hbm>>
      tpu.wait_dma2 semaphore(%run_scoped3A : memref<!tpu.dma_semaphore, #tpu.memory_space<semaphore_mem>>) src(%dma_wait3A_21 : memref<96x128xi32, #tpu.memory_space<hbm>>) dst(%arg8 : memref<96x128xi32, #tpu.memory_space<vmem>>)
      tpu.yield
    }) : () -> ()
    %mul3A = arith.constant 632 : i32
    %mul3A_0 = arith.muli %arg1, %mul3A : i32
    "tpu.region"() ({
      %run_scoped3A = tpu.sem_alloc : memref<!tpu.dma_semaphore, #tpu.memory_space<semaphore_mem>>
      %dma_start3A = arith.constant 0 : i32
      %dma_start3A_8 = tpu.memref_slice %arg10[%mul3A_0, %dma_start3A] : memref<10112x128xf32, #tpu.memory_space<vmem_shared>> -> memref<632x128xf32, #tpu.memory_space<vmem_shared>>
      tpu.enqueue_dma source(%arg5 : memref<632x128xf32, #tpu.memory_space<hbm>>) target(%dma_start3A_8 : memref<632x128xf32, #tpu.memory_space<vmem_shared>>) target_semaphore(%run_scoped3A : memref<!tpu.dma_semaphore, #tpu.memory_space<semaphore_mem>>)
      %dma_wait3A = arith.constant 0 : i32
      %dma_wait3A_9 = tpu.memref_slice %arg10[%mul3A_0, %dma_wait3A] : memref<10112x128xf32, #tpu.memory_space<vmem_shared>> -> memref<632x128xf32, #tpu.memory_space<vmem_shared>>
      tpu.wait_dma2 semaphore(%run_scoped3A : memref<!tpu.dma_semaphore, #tpu.memory_space<semaphore_mem>>) src(%arg5 : memref<632x128xf32, #tpu.memory_space<hbm>>) dst(%dma_wait3A_9 : memref<632x128xf32, #tpu.memory_space<vmem_shared>>)
      tpu.yield
    }) : () -> ()
    %barrier3A = arith.constant 0 : index
    tpu.barrier barrier_id(%barrier3A)
    %scan3A = arith.constant 0 : i32
    %scan3A_1 = arith.constant 0 : i32
    %scan3A_2 = arith.constant 96 : i32
    %scan3A_3 = arith.addi %scan3A_1, %scan3A_2 : i32
    %scan3A_4 = arith.constant 1 : i32
    %scan3A_5 = scf.for %scan3A_8 = %scan3A_1 to %scan3A_3 step %scan3A_4 iter_args(%scan3A_9 = %scan3A) -> (i32)  : i32 {
      "tpu.region"() ({
        %run_scoped3A = tpu.sem_alloc : memref<!tpu.dma_semaphore, #tpu.memory_space<semaphore_mem>>
        %dma_start3A = arith.constant 0 : i32
        %dma_start3A_11 = tpu.memref_slice %arg7[%scan3A_8, %dma_start3A] : memref<96x128xi32, #tpu.memory_space<vmem>> -> memref<1x128xi32, #tpu.memory_space<vmem>>
        %dma_start3A_12 = tpu.memref_squeeze %dma_start3A_11 : memref<1x128xi32, #tpu.memory_space<vmem>> -> memref<128xi32, #tpu.memory_space<vmem>>
        %dma_start3A_13 = arith.constant 0 : i32
        %dma_start3A_14 = arith.constant 0 : i32
        %dma_start3A_15 = tpu.memref_slice %arg2[%dma_start3A_13, %dma_start3A_14] : memref<10000x128xf32, #tpu.memory_space<hbm>> -> memref<10000x128xf32, #tpu.memory_space<hbm>>
        tpu.enqueue_indirect_dma source(%dma_start3A_15 : memref<10000x128xf32, #tpu.memory_space<hbm>>) target(%arg9 : memref<128x128xf32, #tpu.memory_space<vmem>>) offsets(%dma_start3A_12 : memref<128xi32, #tpu.memory_space<vmem>>) semaphore(%run_scoped3A : memref<!tpu.dma_semaphore, #tpu.memory_space<semaphore_mem>>)
        %dma_wait3A = arith.constant 0 : i32
        %dma_wait3A_16 = tpu.memref_slice %arg7[%scan3A_8, %dma_wait3A] : memref<96x128xi32, #tpu.memory_space<vmem>> -> memref<1x128xi32, #tpu.memory_space<vmem>>
        %dma_wait3A_17 = tpu.memref_squeeze %dma_wait3A_16 : memref<1x128xi32, #tpu.memory_space<vmem>> -> memref<128xi32, #tpu.memory_space<vmem>>
        %dma_wait3A_18 = arith.constant 0 : i32
        %dma_wait3A_19 = arith.constant 0 : i32
        %dma_wait3A_20 = tpu.memref_slice %arg2[%dma_wait3A_18, %dma_wait3A_19] : memref<10000x128xf32, #tpu.memory_space<hbm>> -> memref<10000x128xf32, #tpu.memory_space<hbm>>
        tpu.wait_indirect_dma semaphore(%run_scoped3A : memref<!tpu.dma_semaphore, #tpu.memory_space<semaphore_mem>>) src(%dma_wait3A_20 : memref<10000x128xf32, #tpu.memory_space<hbm>>) dst(%arg9 : memref<128x128xf32, #tpu.memory_space<vmem>>)
        tpu.yield
      }) : () -> ()
      "tpu.region"() ({
        %run_scoped3A = tpu.sem_alloc : memref<!tpu.dma_semaphore, #tpu.memory_space<semaphore_mem>>
        %dma_start3A = arith.constant 0 : i32
        %dma_start3A_11 = tpu.memref_slice %arg8[%scan3A_8, %dma_start3A] : memref<96x128xi32, #tpu.memory_space<vmem>> -> memref<1x128xi32, #tpu.memory_space<vmem>>
        %dma_start3A_12 = tpu.memref_squeeze %dma_start3A_11 : memref<1x128xi32, #tpu.memory_space<vmem>> -> memref<128xi32, #tpu.memory_space<vmem>>
        %dma_start3A_13 = arith.constant 0 : i32
        %dma_start3A_14 = arith.constant 0 : i32
        %dma_start3A_15 = tpu.memref_slice %arg10[%dma_start3A_13, %dma_start3A_14] : memref<10112x128xf32, #tpu.memory_space<vmem_shared>> -> memref<10112x128xf32, #tpu.memory_space<vmem_shared>>
        tpu.enqueue_indirect_dma source(%arg9 : memref<128x128xf32, #tpu.memory_space<vmem>>) target(%dma_start3A_15 : memref<10112x128xf32, #tpu.memory_space<vmem_shared>>) offsets(%dma_start3A_12 : memref<128xi32, #tpu.memory_space<vmem>>) semaphore(%run_scoped3A : memref<!tpu.dma_semaphore, #tpu.memory_space<semaphore_mem>>) {add = true}
        %dma_wait3A = arith.constant 0 : i32
        %dma_wait3A_16 = tpu.memref_slice %arg8[%scan3A_8, %dma_wait3A] : memref<96x128xi32, #tpu.memory_space<vmem>> -> memref<1x128xi32, #tpu.memory_space<vmem>>
        %dma_wait3A_17 = tpu.memref_squeeze %dma_wait3A_16 : memref<1x128xi32, #tpu.memory_space<vmem>> -> memref<128xi32, #tpu.memory_space<vmem>>
        %dma_wait3A_18 = arith.constant 0 : i32
        %dma_wait3A_19 = arith.constant 0 : i32
        %dma_wait3A_20 = tpu.memref_slice %arg10[%dma_wait3A_18, %dma_wait3A_19] : memref<10112x128xf32, #tpu.memory_space<vmem_shared>> -> memref<10112x128xf32, #tpu.memory_space<vmem_shared>>
        tpu.wait_indirect_dma semaphore(%run_scoped3A : memref<!tpu.dma_semaphore, #tpu.memory_space<semaphore_mem>>) src(%arg9 : memref<128x128xf32, #tpu.memory_space<vmem>>) dst(%dma_wait3A_20 : memref<10112x128xf32, #tpu.memory_space<vmem_shared>>)
        tpu.yield
      }) : () -> ()
      %scan3A_10 = arith.constant 0 : i32
      scf.yield %scan3A_10 : i32
    }
    %scan3A_6 = arith.constant 96 : i32
    %barrier3A_7 = arith.constant 0 : index
    tpu.barrier barrier_id(%barrier3A_7)
    "tpu.region"() ({
      %run_scoped3A = tpu.sem_alloc : memref<!tpu.dma_semaphore, #tpu.memory_space<semaphore_mem>>
      %dma_start3A = arith.constant 0 : i32
      %dma_start3A_8 = tpu.memref_slice %arg6[%arg0, %mul3A_0, %dma_start3A] : memref<2x10112x128xf32, #tpu.memory_space<hbm>> -> memref<1x632x128xf32, #tpu.memory_space<hbm>>
      %dma_start3A_9 = tpu.memref_squeeze %dma_start3A_8 : memref<1x632x128xf32, #tpu.memory_space<hbm>> -> memref<632x128xf32, #tpu.memory_space<hbm>>
      %dma_start3A_10 = arith.constant 0 : i32
      %dma_start3A_11 = tpu.memref_slice %arg10[%mul3A_0, %dma_start3A_10] : memref<10112x128xf32, #tpu.memory_space<vmem_shared>> -> memref<632x128xf32, #tpu.memory_space<vmem_shared>>
      tpu.enqueue_dma source(%dma_start3A_11 : memref<632x128xf32, #tpu.memory_space<vmem_shared>>) target(%dma_start3A_9 : memref<632x128xf32, #tpu.memory_space<hbm>>) target_semaphore(%run_scoped3A : memref<!tpu.dma_semaphore, #tpu.memory_space<semaphore_mem>>)
      %dma_wait3A = arith.constant 0 : i32
      %dma_wait3A_12 = tpu.memref_slice %arg6[%arg0, %mul3A_0, %dma_wait3A] : memref<2x10112x128xf32, #tpu.memory_space<hbm>> -> memref<1x632x128xf32, #tpu.memory_space<hbm>>
      %dma_wait3A_13 = tpu.memref_squeeze %dma_wait3A_12 : memref<1x632x128xf32, #tpu.memory_space<hbm>> -> memref<632x128xf32, #tpu.memory_space<hbm>>
      %dma_wait3A_14 = arith.constant 0 : i32
      %dma_wait3A_15 = tpu.memref_slice %arg10[%mul3A_0, %dma_wait3A_14] : memref<10112x128xf32, #tpu.memory_space<vmem_shared>> -> memref<632x128xf32, #tpu.memory_space<vmem_shared>>
      tpu.wait_dma2 semaphore(%run_scoped3A : memref<!tpu.dma_semaphore, #tpu.memory_space<semaphore_mem>>) src(%dma_wait3A_15 : memref<632x128xf32, #tpu.memory_space<vmem_shared>>) dst(%dma_wait3A_13 : memref<632x128xf32, #tpu.memory_space<hbm>>)
      tpu.yield
    }) : () -> ()
    return
  }
}

#map = affine_map<(d0, d1) -> (0, 0)>
#map1 = affine_map<(d0, d1) -> (0, 0, 0, 0)>
#map2 = affine_map<(d0, d1) -> (0, 0, 0)>
module attributes {stable_mosaic.version = 14 : i64} {
  func.func @_scat_body(%arg0: i32, %arg1: i32, %arg2: memref<10000x128xf32, #tpu.memory_space<hbm>>, %arg3: memref<2x16x96x128xi32, #tpu.memory_space<hbm>>, %arg4: memref<2x16x96x128xi32, #tpu.memory_space<hbm>>, %arg5: memref<632x128xf32, #tpu.memory_space<hbm>>, %arg6: memref<2x10112x128xf32, #tpu.memory_space<hbm>>, %arg7: memref<96x128xi32, #tpu.memory_space<vmem>>, %arg8: memref<96x128xi32, #tpu.memory_space<vmem>>, %arg9: memref<128x128xf32, #tpu.memory_space<vmem>>, %arg10: memref<10112x128xf32, #tpu.memory_space<vmem_shared>>) attributes {dimension_semantics = [#tpu.dimension_semantics<core_parallel>, #tpu.dimension_semantics<subcore_parallel>], iteration_bounds = array<i64: 2, 16>, scalar_prefetch = 0 : i64, scratch_operands = 4 : i64, tpu.core_type = #tpu.core_type<sc_vector_subcore>, window_params = [{transform_indices = #map}, {transform_indices = #map1}, {transform_indices = #map1}, {transform_indices = #map}, {transform_indices = #map2}]} {
    "tpu.region"() ({
      %run_scoped3A = tpu.sem_alloc : memref<!tpu.dma_semaphore, #tpu.memory_space<semaphore_mem>>
      %dma_start3A = arith.constant 0 : i32
      %dma_start3A_8 = arith.constant 0 : i32
      %dma_start3A_9 = tpu.memref_slice %arg3[%arg0, %arg1, %dma_start3A, %dma_start3A_8] : memref<2x16x96x128xi32, #tpu.memory_space<hbm>> -> memref<1x1x96x128xi32, #tpu.memory_space<hbm>>
      %dma_start3A_10 = tpu.memref_squeeze %dma_start3A_9 : memref<1x1x96x128xi32, #tpu.memory_space<hbm>> -> memref<96x128xi32, #tpu.memory_space<hbm>>
      %dma_start3A_11 = arith.constant 0 : i32
      %dma_start3A_12 = arith.constant 0 : i32
      %dma_start3A_13 = tpu.memref_slice %arg3[%arg0, %arg1, %dma_start3A_11, %dma_start3A_12] : memref<2x16x96x128xi32, #tpu.memory_space<hbm>> -> memref<1x1x96x128xi32, #tpu.memory_space<hbm>>
      %dma_start3A_14 = tpu.memref_squeeze %dma_start3A_13 : memref<1x1x96x128xi32, #tpu.memory_space<hbm>> -> memref<96x128xi32, #tpu.memory_space<hbm>>
      tpu.enqueue_dma source(%dma_start3A_14 : memref<96x128xi32, #tpu.memory_space<hbm>>) target(%arg7 : memref<96x128xi32, #tpu.memory_space<vmem>>) target_semaphore(%run_scoped3A : memref<!tpu.dma_semaphore, #tpu.memory_space<semaphore_mem>>)
      %dma_wait3A = arith.constant 0 : i32
      %dma_wait3A_15 = arith.constant 0 : i32
      %dma_wait3A_16 = tpu.memref_slice %arg3[%arg0, %arg1, %dma_wait3A, %dma_wait3A_15] : memref<2x16x96x128xi32, #tpu.memory_space<hbm>> -> memref<1x1x96x128xi32, #tpu.memory_space<hbm>>
      %dma_wait3A_17 = tpu.memref_squeeze %dma_wait3A_16 : memref<1x1x96x128xi32, #tpu.memory_space<hbm>> -> memref<96x128xi32, #tpu.memory_space<hbm>>
      %dma_wait3A_18 = arith.constant 0 : i32
      %dma_wait3A_19 = arith.constant 0 : i32
      %dma_wait3A_20 = tpu.memref_slice %arg3[%arg0, %arg1, %dma_wait3A_18, %dma_wait3A_19] : memref<2x16x96x128xi32, #tpu.memory_space<hbm>> -> memref<1x1x96x128xi32, #tpu.memory_space<hbm>>
      %dma_wait3A_21 = tpu.memref_squeeze %dma_wait3A_20 : memref<1x1x96x128xi32, #tpu.memory_space<hbm>> -> memref<96x128xi32, #tpu.memory_space<hbm>>
      tpu.wait_dma2 semaphore(%run_scoped3A : memref<!tpu.dma_semaphore, #tpu.memory_space<semaphore_mem>>) src(%dma_wait3A_21 : memref<96x128xi32, #tpu.memory_space<hbm>>) dst(%arg7 : memref<96x128xi32, #tpu.memory_space<vmem>>)
      tpu.yield
    }) : () -> ()
    "tpu.region"() ({
      %run_scoped3A = tpu.sem_alloc : memref<!tpu.dma_semaphore, #tpu.memory_space<semaphore_mem>>
      %dma_start3A = arith.constant 0 : i32
      %dma_start3A_8 = arith.constant 0 : i32
      %dma_start3A_9 = tpu.memref_slice %arg4[%arg0, %arg1, %dma_start3A, %dma_start3A_8] : memref<2x16x96x128xi32, #tpu.memory_space<hbm>> -> memref<1x1x96x128xi32, #tpu.memory_space<hbm>>
      %dma_start3A_10 = tpu.memref_squeeze %dma_start3A_9 : memref<1x1x96x128xi32, #tpu.memory_space<hbm>> -> memref<96x128xi32, #tpu.memory_space<hbm>>
      %dma_start3A_11 = arith.constant 0 : i32
      %dma_start3A_12 = arith.constant 0 : i32
      %dma_start3A_13 = tpu.memref_slice %arg4[%arg0, %arg1, %dma_start3A_11, %dma_start3A_12] : memref<2x16x96x128xi32, #tpu.memory_space<hbm>> -> memref<1x1x96x128xi32, #tpu.memory_space<hbm>>
      %dma_start3A_14 = tpu.memref_squeeze %dma_start3A_13 : memref<1x1x96x128xi32, #tpu.memory_space<hbm>> -> memref<96x128xi32, #tpu.memory_space<hbm>>
      tpu.enqueue_dma source(%dma_start3A_14 : memref<96x128xi32, #tpu.memory_space<hbm>>) target(%arg8 : memref<96x128xi32, #tpu.memory_space<vmem>>) target_semaphore(%run_scoped3A : memref<!tpu.dma_semaphore, #tpu.memory_space<semaphore_mem>>)
      %dma_wait3A = arith.constant 0 : i32
      %dma_wait3A_15 = arith.constant 0 : i32
      %dma_wait3A_16 = tpu.memref_slice %arg4[%arg0, %arg1, %dma_wait3A, %dma_wait3A_15] : memref<2x16x96x128xi32, #tpu.memory_space<hbm>> -> memref<1x1x96x128xi32, #tpu.memory_space<hbm>>
      %dma_wait3A_17 = tpu.memref_squeeze %dma_wait3A_16 : memref<1x1x96x128xi32, #tpu.memory_space<hbm>> -> memref<96x128xi32, #tpu.memory_space<hbm>>
      %dma_wait3A_18 = arith.constant 0 : i32
      %dma_wait3A_19 = arith.constant 0 : i32
      %dma_wait3A_20 = tpu.memref_slice %arg4[%arg0, %arg1, %dma_wait3A_18, %dma_wait3A_19] : memref<2x16x96x128xi32, #tpu.memory_space<hbm>> -> memref<1x1x96x128xi32, #tpu.memory_space<hbm>>
      %dma_wait3A_21 = tpu.memref_squeeze %dma_wait3A_20 : memref<1x1x96x128xi32, #tpu.memory_space<hbm>> -> memref<96x128xi32, #tpu.memory_space<hbm>>
      tpu.wait_dma2 semaphore(%run_scoped3A : memref<!tpu.dma_semaphore, #tpu.memory_space<semaphore_mem>>) src(%dma_wait3A_21 : memref<96x128xi32, #tpu.memory_space<hbm>>) dst(%arg8 : memref<96x128xi32, #tpu.memory_space<vmem>>)
      tpu.yield
    }) : () -> ()
    %mul3A = arith.constant 632 : i32
    %mul3A_0 = arith.muli %arg1, %mul3A : i32
    "tpu.region"() ({
      %run_scoped3A = tpu.sem_alloc : memref<!tpu.dma_semaphore, #tpu.memory_space<semaphore_mem>>
      %dma_start3A = arith.constant 0 : i32
      %dma_start3A_8 = tpu.memref_slice %arg10[%mul3A_0, %dma_start3A] : memref<10112x128xf32, #tpu.memory_space<vmem_shared>> -> memref<632x128xf32, #tpu.memory_space<vmem_shared>>
      tpu.enqueue_dma source(%arg5 : memref<632x128xf32, #tpu.memory_space<hbm>>) target(%dma_start3A_8 : memref<632x128xf32, #tpu.memory_space<vmem_shared>>) target_semaphore(%run_scoped3A : memref<!tpu.dma_semaphore, #tpu.memory_space<semaphore_mem>>)
      %dma_wait3A = arith.constant 0 : i32
      %dma_wait3A_9 = tpu.memref_slice %arg10[%mul3A_0, %dma_wait3A] : memref<10112x128xf32, #tpu.memory_space<vmem_shared>> -> memref<632x128xf32, #tpu.memory_space<vmem_shared>>
      tpu.wait_dma2 semaphore(%run_scoped3A : memref<!tpu.dma_semaphore, #tpu.memory_space<semaphore_mem>>) src(%arg5 : memref<632x128xf32, #tpu.memory_space<hbm>>) dst(%dma_wait3A_9 : memref<632x128xf32, #tpu.memory_space<vmem_shared>>)
      tpu.yield
    }) : () -> ()
    %barrier3A = arith.constant 0 : index
    tpu.barrier barrier_id(%barrier3A)
    %scan3A = arith.constant 0 : i32
    %scan3A_1 = arith.constant 0 : i32
    %scan3A_2 = arith.constant 96 : i32
    %scan3A_3 = arith.addi %scan3A_1, %scan3A_2 : i32
    %scan3A_4 = arith.constant 1 : i32
    %scan3A_5 = scf.for %scan3A_8 = %scan3A_1 to %scan3A_3 step %scan3A_4 iter_args(%scan3A_9 = %scan3A) -> (i32)  : i32 {
      "tpu.region"() ({
        %run_scoped3A = tpu.sem_alloc : memref<!tpu.dma_semaphore, #tpu.memory_space<semaphore_mem>>
        %dma_start3A = arith.constant 0 : i32
        %dma_start3A_11 = tpu.memref_slice %arg7[%scan3A_8, %dma_start3A] : memref<96x128xi32, #tpu.memory_space<vmem>> -> memref<1x128xi32, #tpu.memory_space<vmem>>
        %dma_start3A_12 = tpu.memref_squeeze %dma_start3A_11 : memref<1x128xi32, #tpu.memory_space<vmem>> -> memref<128xi32, #tpu.memory_space<vmem>>
        %dma_start3A_13 = arith.constant 0 : i32
        %dma_start3A_14 = arith.constant 0 : i32
        %dma_start3A_15 = tpu.memref_slice %arg2[%dma_start3A_13, %dma_start3A_14] : memref<10000x128xf32, #tpu.memory_space<hbm>> -> memref<10000x128xf32, #tpu.memory_space<hbm>>
        tpu.enqueue_indirect_dma source(%dma_start3A_15 : memref<10000x128xf32, #tpu.memory_space<hbm>>) target(%arg9 : memref<128x128xf32, #tpu.memory_space<vmem>>) offsets(%dma_start3A_12 : memref<128xi32, #tpu.memory_space<vmem>>) semaphore(%run_scoped3A : memref<!tpu.dma_semaphore, #tpu.memory_space<semaphore_mem>>)
        %dma_wait3A = arith.constant 0 : i32
        %dma_wait3A_16 = tpu.memref_slice %arg7[%scan3A_8, %dma_wait3A] : memref<96x128xi32, #tpu.memory_space<vmem>> -> memref<1x128xi32, #tpu.memory_space<vmem>>
        %dma_wait3A_17 = tpu.memref_squeeze %dma_wait3A_16 : memref<1x128xi32, #tpu.memory_space<vmem>> -> memref<128xi32, #tpu.memory_space<vmem>>
        %dma_wait3A_18 = arith.constant 0 : i32
        %dma_wait3A_19 = arith.constant 0 : i32
        %dma_wait3A_20 = tpu.memref_slice %arg2[%dma_wait3A_18, %dma_wait3A_19] : memref<10000x128xf32, #tpu.memory_space<hbm>> -> memref<10000x128xf32, #tpu.memory_space<hbm>>
        tpu.wait_indirect_dma semaphore(%run_scoped3A : memref<!tpu.dma_semaphore, #tpu.memory_space<semaphore_mem>>) src(%dma_wait3A_20 : memref<10000x128xf32, #tpu.memory_space<hbm>>) dst(%arg9 : memref<128x128xf32, #tpu.memory_space<vmem>>)
        tpu.yield
      }) : () -> ()
      "tpu.region"() ({
        %run_scoped3A = tpu.sem_alloc : memref<!tpu.dma_semaphore, #tpu.memory_space<semaphore_mem>>
        %dma_start3A = arith.constant 0 : i32
        %dma_start3A_11 = tpu.memref_slice %arg8[%scan3A_8, %dma_start3A] : memref<96x128xi32, #tpu.memory_space<vmem>> -> memref<1x128xi32, #tpu.memory_space<vmem>>
        %dma_start3A_12 = tpu.memref_squeeze %dma_start3A_11 : memref<1x128xi32, #tpu.memory_space<vmem>> -> memref<128xi32, #tpu.memory_space<vmem>>
        %dma_start3A_13 = arith.constant 0 : i32
        %dma_start3A_14 = arith.constant 0 : i32
        %dma_start3A_15 = tpu.memref_slice %arg10[%dma_start3A_13, %dma_start3A_14] : memref<10112x128xf32, #tpu.memory_space<vmem_shared>> -> memref<10112x128xf32, #tpu.memory_space<vmem_shared>>
        tpu.enqueue_indirect_dma source(%arg9 : memref<128x128xf32, #tpu.memory_space<vmem>>) target(%dma_start3A_15 : memref<10112x128xf32, #tpu.memory_space<vmem_shared>>) offsets(%dma_start3A_12 : memref<128xi32, #tpu.memory_space<vmem>>) semaphore(%run_scoped3A : memref<!tpu.dma_semaphore, #tpu.memory_space<semaphore_mem>>) {add = true}
        %dma_wait3A = arith.constant 0 : i32
        %dma_wait3A_16 = tpu.memref_slice %arg8[%scan3A_8, %dma_wait3A] : memref<96x128xi32, #tpu.memory_space<vmem>> -> memref<1x128xi32, #tpu.memory_space<vmem>>
        %dma_wait3A_17 = tpu.memref_squeeze %dma_wait3A_16 : memref<1x128xi32, #tpu.memory_space<vmem>> -> memref<128xi32, #tpu.memory_space<vmem>>
        %dma_wait3A_18 = arith.constant 0 : i32
        %dma_wait3A_19 = arith.constant 0 : i32
        %dma_wait3A_20 = tpu.memref_slice %arg10[%dma_wait3A_18, %dma_wait3A_19] : memref<10112x128xf32, #tpu.memory_space<vmem_shared>> -> memref<10112x128xf32, #tpu.memory_space<vmem_shared>>
        tpu.wait_indirect_dma semaphore(%run_scoped3A : memref<!tpu.dma_semaphore, #tpu.memory_space<semaphore_mem>>) src(%arg9 : memref<128x128xf32, #tpu.memory_space<vmem>>) dst(%dma_wait3A_20 : memref<10112x128xf32, #tpu.memory_space<vmem_shared>>)
        tpu.yield
      }) : () -> ()
      %scan3A_10 = arith.constant 0 : i32
      scf.yield %scan3A_10 : i32
    }
    %scan3A_6 = arith.constant 96 : i32
    %barrier3A_7 = arith.constant 0 : index
    tpu.barrier barrier_id(%barrier3A_7)
    "tpu.region"() ({
      %run_scoped3A = tpu.sem_alloc : memref<!tpu.dma_semaphore, #tpu.memory_space<semaphore_mem>>
      %dma_start3A = arith.constant 0 : i32
      %dma_start3A_8 = tpu.memref_slice %arg6[%arg0, %mul3A_0, %dma_start3A] : memref<2x10112x128xf32, #tpu.memory_space<hbm>> -> memref<1x632x128xf32, #tpu.memory_space<hbm>>
      %dma_start3A_9 = tpu.memref_squeeze %dma_start3A_8 : memref<1x632x128xf32, #tpu.memory_space<hbm>> -> memref<632x128xf32, #tpu.memory_space<hbm>>
      %dma_start3A_10 = arith.constant 0 : i32
      %dma_start3A_11 = tpu.memref_slice %arg10[%mul3A_0, %dma_start3A_10] : memref<10112x128xf32, #tpu.memory_space<vmem_shared>> -> memref<632x128xf32, #tpu.memory_space<vmem_shared>>
      tpu.enqueue_dma source(%dma_start3A_11 : memref<632x128xf32, #tpu.memory_space<vmem_shared>>) target(%dma_start3A_9 : memref<632x128xf32, #tpu.memory_space<hbm>>) target_semaphore(%run_scoped3A : memref<!tpu.dma_semaphore, #tpu.memory_space<semaphore_mem>>)
      %dma_wait3A = arith.constant 0 : i32
      %dma_wait3A_12 = tpu.memref_slice %arg6[%arg0, %mul3A_0, %dma_wait3A] : memref<2x10112x128xf32, #tpu.memory_space<hbm>> -> memref<1x632x128xf32, #tpu.memory_space<hbm>>
      %dma_wait3A_13 = tpu.memref_squeeze %dma_wait3A_12 : memref<1x632x128xf32, #tpu.memory_space<hbm>> -> memref<632x128xf32, #tpu.memory_space<hbm>>
      %dma_wait3A_14 = arith.constant 0 : i32
      %dma_wait3A_15 = tpu.memref_slice %arg10[%mul3A_0, %dma_wait3A_14] : memref<10112x128xf32, #tpu.memory_space<vmem_shared>> -> memref<632x128xf32, #tpu.memory_space<vmem_shared>>
      tpu.wait_dma2 semaphore(%run_scoped3A : memref<!tpu.dma_semaphore, #tpu.memory_space<semaphore_mem>>) src(%dma_wait3A_15 : memref<632x128xf32, #tpu.memory_space<vmem_shared>>) dst(%dma_wait3A_13 : memref<632x128xf32, #tpu.memory_space<hbm>>)
      tpu.yield
    }) : () -> ()
    return
  }
}

#map = affine_map<(d0, d1) -> (0, 0, 0, 0)>
#map1 = affine_map<(d0, d1) -> (0, 0)>
#map2 = affine_map<(d0, d1) -> (0, 0, 0)>
module attributes {stable_mosaic.version = 14 : i64} {
  func.func @_deg_body(%arg0: i32, %arg1: i32, %arg2: memref<2x16x96x128xi32, #tpu.memory_space<hbm>>, %arg3: memref<128x16xf32, #tpu.memory_space<hbm>>, %arg4: memref<632x16xf32, #tpu.memory_space<hbm>>, %arg5: memref<2x10112x16xf32, #tpu.memory_space<hbm>>, %arg6: memref<96x128xi32, #tpu.memory_space<vmem>>, %arg7: memref<128x16xf32, #tpu.memory_space<vmem>>, %arg8: memref<10112x16xf32, #tpu.memory_space<vmem_shared>>) attributes {dimension_semantics = [#tpu.dimension_semantics<core_parallel>, #tpu.dimension_semantics<subcore_parallel>], iteration_bounds = array<i64: 2, 16>, scalar_prefetch = 0 : i64, scratch_operands = 3 : i64, tpu.core_type = #tpu.core_type<sc_vector_subcore>, window_params = [{transform_indices = #map}, {transform_indices = #map1}, {transform_indices = #map1}, {transform_indices = #map2}]} {
    "tpu.region"() ({
      %run_scoped3A = tpu.sem_alloc : memref<!tpu.dma_semaphore, #tpu.memory_space<semaphore_mem>>
      %dma_start3A = arith.constant 0 : i32
      %dma_start3A_8 = arith.constant 0 : i32
      %dma_start3A_9 = tpu.memref_slice %arg2[%arg0, %arg1, %dma_start3A, %dma_start3A_8] : memref<2x16x96x128xi32, #tpu.memory_space<hbm>> -> memref<1x1x96x128xi32, #tpu.memory_space<hbm>>
      %dma_start3A_10 = tpu.memref_squeeze %dma_start3A_9 : memref<1x1x96x128xi32, #tpu.memory_space<hbm>> -> memref<96x128xi32, #tpu.memory_space<hbm>>
      %dma_start3A_11 = arith.constant 0 : i32
      %dma_start3A_12 = arith.constant 0 : i32
      %dma_start3A_13 = tpu.memref_slice %arg2[%arg0, %arg1, %dma_start3A_11, %dma_start3A_12] : memref<2x16x96x128xi32, #tpu.memory_space<hbm>> -> memref<1x1x96x128xi32, #tpu.memory_space<hbm>>
      %dma_start3A_14 = tpu.memref_squeeze %dma_start3A_13 : memref<1x1x96x128xi32, #tpu.memory_space<hbm>> -> memref<96x128xi32, #tpu.memory_space<hbm>>
      tpu.enqueue_dma source(%dma_start3A_14 : memref<96x128xi32, #tpu.memory_space<hbm>>) target(%arg6 : memref<96x128xi32, #tpu.memory_space<vmem>>) target_semaphore(%run_scoped3A : memref<!tpu.dma_semaphore, #tpu.memory_space<semaphore_mem>>)
      %dma_wait3A = arith.constant 0 : i32
      %dma_wait3A_15 = arith.constant 0 : i32
      %dma_wait3A_16 = tpu.memref_slice %arg2[%arg0, %arg1, %dma_wait3A, %dma_wait3A_15] : memref<2x16x96x128xi32, #tpu.memory_space<hbm>> -> memref<1x1x96x128xi32, #tpu.memory_space<hbm>>
      %dma_wait3A_17 = tpu.memref_squeeze %dma_wait3A_16 : memref<1x1x96x128xi32, #tpu.memory_space<hbm>> -> memref<96x128xi32, #tpu.memory_space<hbm>>
      %dma_wait3A_18 = arith.constant 0 : i32
      %dma_wait3A_19 = arith.constant 0 : i32
      %dma_wait3A_20 = tpu.memref_slice %arg2[%arg0, %arg1, %dma_wait3A_18, %dma_wait3A_19] : memref<2x16x96x128xi32, #tpu.memory_space<hbm>> -> memref<1x1x96x128xi32, #tpu.memory_space<hbm>>
      %dma_wait3A_21 = tpu.memref_squeeze %dma_wait3A_20 : memref<1x1x96x128xi32, #tpu.memory_space<hbm>> -> memref<96x128xi32, #tpu.memory_space<hbm>>
      tpu.wait_dma2 semaphore(%run_scoped3A : memref<!tpu.dma_semaphore, #tpu.memory_space<semaphore_mem>>) src(%dma_wait3A_21 : memref<96x128xi32, #tpu.memory_space<hbm>>) dst(%arg6 : memref<96x128xi32, #tpu.memory_space<vmem>>)
      tpu.yield
    }) : () -> ()
    "tpu.region"() ({
      %run_scoped3A = tpu.sem_alloc : memref<!tpu.dma_semaphore, #tpu.memory_space<semaphore_mem>>
      tpu.enqueue_dma source(%arg3 : memref<128x16xf32, #tpu.memory_space<hbm>>) target(%arg7 : memref<128x16xf32, #tpu.memory_space<vmem>>) target_semaphore(%run_scoped3A : memref<!tpu.dma_semaphore, #tpu.memory_space<semaphore_mem>>)
      tpu.wait_dma2 semaphore(%run_scoped3A : memref<!tpu.dma_semaphore, #tpu.memory_space<semaphore_mem>>) src(%arg3 : memref<128x16xf32, #tpu.memory_space<hbm>>) dst(%arg7 : memref<128x16xf32, #tpu.memory_space<vmem>>)
      tpu.yield
    }) : () -> ()
    %mul3A = arith.constant 632 : i32
    %mul3A_0 = arith.muli %arg1, %mul3A : i32
    "tpu.region"() ({
      %run_scoped3A = tpu.sem_alloc : memref<!tpu.dma_semaphore, #tpu.memory_space<semaphore_mem>>
      %dma_start3A = arith.constant 0 : i32
      %dma_start3A_8 = tpu.memref_slice %arg8[%mul3A_0, %dma_start3A] : memref<10112x16xf32, #tpu.memory_space<vmem_shared>> -> memref<632x16xf32, #tpu.memory_space<vmem_shared>>
      tpu.enqueue_dma source(%arg4 : memref<632x16xf32, #tpu.memory_space<hbm>>) target(%dma_start3A_8 : memref<632x16xf32, #tpu.memory_space<vmem_shared>>) target_semaphore(%run_scoped3A : memref<!tpu.dma_semaphore, #tpu.memory_space<semaphore_mem>>)
      %dma_wait3A = arith.constant 0 : i32
      %dma_wait3A_9 = tpu.memref_slice %arg8[%mul3A_0, %dma_wait3A] : memref<10112x16xf32, #tpu.memory_space<vmem_shared>> -> memref<632x16xf32, #tpu.memory_space<vmem_shared>>
      tpu.wait_dma2 semaphore(%run_scoped3A : memref<!tpu.dma_semaphore, #tpu.memory_space<semaphore_mem>>) src(%arg4 : memref<632x16xf32, #tpu.memory_space<hbm>>) dst(%dma_wait3A_9 : memref<632x16xf32, #tpu.memory_space<vmem_shared>>)
      tpu.yield
    }) : () -> ()
    %barrier3A = arith.constant 0 : index
    tpu.barrier barrier_id(%barrier3A)
    %scan3A = arith.constant 0 : i32
    %scan3A_1 = arith.constant 0 : i32
    %scan3A_2 = arith.constant 96 : i32
    %scan3A_3 = arith.addi %scan3A_1, %scan3A_2 : i32
    %scan3A_4 = arith.constant 1 : i32
    %scan3A_5 = scf.for %scan3A_8 = %scan3A_1 to %scan3A_3 step %scan3A_4 iter_args(%scan3A_9 = %scan3A) -> (i32)  : i32 {
      "tpu.region"() ({
        %run_scoped3A = tpu.sem_alloc : memref<!tpu.dma_semaphore, #tpu.memory_space<semaphore_mem>>
        %dma_start3A = arith.constant 0 : i32
        %dma_start3A_11 = tpu.memref_slice %arg6[%scan3A_8, %dma_start3A] : memref<96x128xi32, #tpu.memory_space<vmem>> -> memref<1x128xi32, #tpu.memory_space<vmem>>
        %dma_start3A_12 = tpu.memref_squeeze %dma_start3A_11 : memref<1x128xi32, #tpu.memory_space<vmem>> -> memref<128xi32, #tpu.memory_space<vmem>>
        %dma_start3A_13 = arith.constant 0 : i32
        %dma_start3A_14 = arith.constant 0 : i32
        %dma_start3A_15 = tpu.memref_slice %arg8[%dma_start3A_13, %dma_start3A_14] : memref<10112x16xf32, #tpu.memory_space<vmem_shared>> -> memref<10112x16xf32, #tpu.memory_space<vmem_shared>>
        tpu.enqueue_indirect_dma source(%arg7 : memref<128x16xf32, #tpu.memory_space<vmem>>) target(%dma_start3A_15 : memref<10112x16xf32, #tpu.memory_space<vmem_shared>>) offsets(%dma_start3A_12 : memref<128xi32, #tpu.memory_space<vmem>>) semaphore(%run_scoped3A : memref<!tpu.dma_semaphore, #tpu.memory_space<semaphore_mem>>) {add = true}
        %dma_wait3A = arith.constant 0 : i32
        %dma_wait3A_16 = tpu.memref_slice %arg6[%scan3A_8, %dma_wait3A] : memref<96x128xi32, #tpu.memory_space<vmem>> -> memref<1x128xi32, #tpu.memory_space<vmem>>
        %dma_wait3A_17 = tpu.memref_squeeze %dma_wait3A_16 : memref<1x128xi32, #tpu.memory_space<vmem>> -> memref<128xi32, #tpu.memory_space<vmem>>
        %dma_wait3A_18 = arith.constant 0 : i32
        %dma_wait3A_19 = arith.constant 0 : i32
        %dma_wait3A_20 = tpu.memref_slice %arg8[%dma_wait3A_18, %dma_wait3A_19] : memref<10112x16xf32, #tpu.memory_space<vmem_shared>> -> memref<10112x16xf32, #tpu.memory_space<vmem_shared>>
        tpu.wait_indirect_dma semaphore(%run_scoped3A : memref<!tpu.dma_semaphore, #tpu.memory_space<semaphore_mem>>) src(%arg7 : memref<128x16xf32, #tpu.memory_space<vmem>>) dst(%dma_wait3A_20 : memref<10112x16xf32, #tpu.memory_space<vmem_shared>>)
        tpu.yield
      }) : () -> ()
      %scan3A_10 = arith.constant 0 : i32
      scf.yield %scan3A_10 : i32
    }
    %scan3A_6 = arith.constant 96 : i32
    %barrier3A_7 = arith.constant 0 : index
    tpu.barrier barrier_id(%barrier3A_7)
    "tpu.region"() ({
      %run_scoped3A = tpu.sem_alloc : memref<!tpu.dma_semaphore, #tpu.memory_space<semaphore_mem>>
      %dma_start3A = arith.constant 0 : i32
      %dma_start3A_8 = tpu.memref_slice %arg5[%arg0, %mul3A_0, %dma_start3A] : memref<2x10112x16xf32, #tpu.memory_space<hbm>> -> memref<1x632x16xf32, #tpu.memory_space<hbm>>
      %dma_start3A_9 = tpu.memref_squeeze %dma_start3A_8 : memref<1x632x16xf32, #tpu.memory_space<hbm>> -> memref<632x16xf32, #tpu.memory_space<hbm>>
      %dma_start3A_10 = arith.constant 0 : i32
      %dma_start3A_11 = tpu.memref_slice %arg8[%mul3A_0, %dma_start3A_10] : memref<10112x16xf32, #tpu.memory_space<vmem_shared>> -> memref<632x16xf32, #tpu.memory_space<vmem_shared>>
      tpu.enqueue_dma source(%dma_start3A_11 : memref<632x16xf32, #tpu.memory_space<vmem_shared>>) target(%dma_start3A_9 : memref<632x16xf32, #tpu.memory_space<hbm>>) target_semaphore(%run_scoped3A : memref<!tpu.dma_semaphore, #tpu.memory_space<semaphore_mem>>)
      %dma_wait3A = arith.constant 0 : i32
      %dma_wait3A_12 = tpu.memref_slice %arg5[%arg0, %mul3A_0, %dma_wait3A] : memref<2x10112x16xf32, #tpu.memory_space<hbm>> -> memref<1x632x16xf32, #tpu.memory_space<hbm>>
      %dma_wait3A_13 = tpu.memref_squeeze %dma_wait3A_12 : memref<1x632x16xf32, #tpu.memory_space<hbm>> -> memref<632x16xf32, #tpu.memory_space<hbm>>
      %dma_wait3A_14 = arith.constant 0 : i32
      %dma_wait3A_15 = tpu.memref_slice %arg8[%mul3A_0, %dma_wait3A_14] : memref<10112x16xf32, #tpu.memory_space<vmem_shared>> -> memref<632x16xf32, #tpu.memory_space<vmem_shared>>
      tpu.wait_dma2 semaphore(%run_scoped3A : memref<!tpu.dma_semaphore, #tpu.memory_space<semaphore_mem>>) src(%dma_wait3A_15 : memref<632x16xf32, #tpu.memory_space<vmem_shared>>) dst(%dma_wait3A_13 : memref<632x16xf32, #tpu.memory_space<hbm>>)
      tpu.yield
    }) : () -> ()
    return
  }
}

#map = affine_map<(d0, d1) -> (0, 0)>
#map1 = affine_map<(d0, d1) -> (0, 0, 0, 0)>
#map2 = affine_map<(d0, d1) -> (0, 0, 0)>
module attributes {stable_mosaic.version = 14 : i64} {
  func.func @_scat_body(%arg0: i32, %arg1: i32, %arg2: memref<10000x128xf32, #tpu.memory_space<hbm>>, %arg3: memref<2x16x96x128xi32, #tpu.memory_space<hbm>>, %arg4: memref<2x16x96x128xi32, #tpu.memory_space<hbm>>, %arg5: memref<632x128xf32, #tpu.memory_space<hbm>>, %arg6: memref<2x10112x128xf32, #tpu.memory_space<hbm>>, %arg7: memref<96x128xi32, #tpu.memory_space<vmem>>, %arg8: memref<96x128xi32, #tpu.memory_space<vmem>>, %arg9: memref<128x128xf32, #tpu.memory_space<vmem>>, %arg10: memref<10112x128xf32, #tpu.memory_space<vmem_shared>>) attributes {dimension_semantics = [#tpu.dimension_semantics<core_parallel>, #tpu.dimension_semantics<subcore_parallel>], iteration_bounds = array<i64: 2, 16>, scalar_prefetch = 0 : i64, scratch_operands = 4 : i64, tpu.core_type = #tpu.core_type<sc_vector_subcore>, window_params = [{transform_indices = #map}, {transform_indices = #map1}, {transform_indices = #map1}, {transform_indices = #map}, {transform_indices = #map2}]} {
    "tpu.region"() ({
      %run_scoped3A = tpu.sem_alloc : memref<!tpu.dma_semaphore, #tpu.memory_space<semaphore_mem>>
      %dma_start3A = arith.constant 0 : i32
      %dma_start3A_8 = arith.constant 0 : i32
      %dma_start3A_9 = tpu.memref_slice %arg3[%arg0, %arg1, %dma_start3A, %dma_start3A_8] : memref<2x16x96x128xi32, #tpu.memory_space<hbm>> -> memref<1x1x96x128xi32, #tpu.memory_space<hbm>>
      %dma_start3A_10 = tpu.memref_squeeze %dma_start3A_9 : memref<1x1x96x128xi32, #tpu.memory_space<hbm>> -> memref<96x128xi32, #tpu.memory_space<hbm>>
      %dma_start3A_11 = arith.constant 0 : i32
      %dma_start3A_12 = arith.constant 0 : i32
      %dma_start3A_13 = tpu.memref_slice %arg3[%arg0, %arg1, %dma_start3A_11, %dma_start3A_12] : memref<2x16x96x128xi32, #tpu.memory_space<hbm>> -> memref<1x1x96x128xi32, #tpu.memory_space<hbm>>
      %dma_start3A_14 = tpu.memref_squeeze %dma_start3A_13 : memref<1x1x96x128xi32, #tpu.memory_space<hbm>> -> memref<96x128xi32, #tpu.memory_space<hbm>>
      tpu.enqueue_dma source(%dma_start3A_14 : memref<96x128xi32, #tpu.memory_space<hbm>>) target(%arg7 : memref<96x128xi32, #tpu.memory_space<vmem>>) target_semaphore(%run_scoped3A : memref<!tpu.dma_semaphore, #tpu.memory_space<semaphore_mem>>)
      %dma_wait3A = arith.constant 0 : i32
      %dma_wait3A_15 = arith.constant 0 : i32
      %dma_wait3A_16 = tpu.memref_slice %arg3[%arg0, %arg1, %dma_wait3A, %dma_wait3A_15] : memref<2x16x96x128xi32, #tpu.memory_space<hbm>> -> memref<1x1x96x128xi32, #tpu.memory_space<hbm>>
      %dma_wait3A_17 = tpu.memref_squeeze %dma_wait3A_16 : memref<1x1x96x128xi32, #tpu.memory_space<hbm>> -> memref<96x128xi32, #tpu.memory_space<hbm>>
      %dma_wait3A_18 = arith.constant 0 : i32
      %dma_wait3A_19 = arith.constant 0 : i32
      %dma_wait3A_20 = tpu.memref_slice %arg3[%arg0, %arg1, %dma_wait3A_18, %dma_wait3A_19] : memref<2x16x96x128xi32, #tpu.memory_space<hbm>> -> memref<1x1x96x128xi32, #tpu.memory_space<hbm>>
      %dma_wait3A_21 = tpu.memref_squeeze %dma_wait3A_20 : memref<1x1x96x128xi32, #tpu.memory_space<hbm>> -> memref<96x128xi32, #tpu.memory_space<hbm>>
      tpu.wait_dma2 semaphore(%run_scoped3A : memref<!tpu.dma_semaphore, #tpu.memory_space<semaphore_mem>>) src(%dma_wait3A_21 : memref<96x128xi32, #tpu.memory_space<hbm>>) dst(%arg7 : memref<96x128xi32, #tpu.memory_space<vmem>>)
      tpu.yield
    }) : () -> ()
    "tpu.region"() ({
      %run_scoped3A = tpu.sem_alloc : memref<!tpu.dma_semaphore, #tpu.memory_space<semaphore_mem>>
      %dma_start3A = arith.constant 0 : i32
      %dma_start3A_8 = arith.constant 0 : i32
      %dma_start3A_9 = tpu.memref_slice %arg4[%arg0, %arg1, %dma_start3A, %dma_start3A_8] : memref<2x16x96x128xi32, #tpu.memory_space<hbm>> -> memref<1x1x96x128xi32, #tpu.memory_space<hbm>>
      %dma_start3A_10 = tpu.memref_squeeze %dma_start3A_9 : memref<1x1x96x128xi32, #tpu.memory_space<hbm>> -> memref<96x128xi32, #tpu.memory_space<hbm>>
      %dma_start3A_11 = arith.constant 0 : i32
      %dma_start3A_12 = arith.constant 0 : i32
      %dma_start3A_13 = tpu.memref_slice %arg4[%arg0, %arg1, %dma_start3A_11, %dma_start3A_12] : memref<2x16x96x128xi32, #tpu.memory_space<hbm>> -> memref<1x1x96x128xi32, #tpu.memory_space<hbm>>
      %dma_start3A_14 = tpu.memref_squeeze %dma_start3A_13 : memref<1x1x96x128xi32, #tpu.memory_space<hbm>> -> memref<96x128xi32, #tpu.memory_space<hbm>>
      tpu.enqueue_dma source(%dma_start3A_14 : memref<96x128xi32, #tpu.memory_space<hbm>>) target(%arg8 : memref<96x128xi32, #tpu.memory_space<vmem>>) target_semaphore(%run_scoped3A : memref<!tpu.dma_semaphore, #tpu.memory_space<semaphore_mem>>)
      %dma_wait3A = arith.constant 0 : i32
      %dma_wait3A_15 = arith.constant 0 : i32
      %dma_wait3A_16 = tpu.memref_slice %arg4[%arg0, %arg1, %dma_wait3A, %dma_wait3A_15] : memref<2x16x96x128xi32, #tpu.memory_space<hbm>> -> memref<1x1x96x128xi32, #tpu.memory_space<hbm>>
      %dma_wait3A_17 = tpu.memref_squeeze %dma_wait3A_16 : memref<1x1x96x128xi32, #tpu.memory_space<hbm>> -> memref<96x128xi32, #tpu.memory_space<hbm>>
      %dma_wait3A_18 = arith.constant 0 : i32
      %dma_wait3A_19 = arith.constant 0 : i32
      %dma_wait3A_20 = tpu.memref_slice %arg4[%arg0, %arg1, %dma_wait3A_18, %dma_wait3A_19] : memref<2x16x96x128xi32, #tpu.memory_space<hbm>> -> memref<1x1x96x128xi32, #tpu.memory_space<hbm>>
      %dma_wait3A_21 = tpu.memref_squeeze %dma_wait3A_20 : memref<1x1x96x128xi32, #tpu.memory_space<hbm>> -> memref<96x128xi32, #tpu.memory_space<hbm>>
      tpu.wait_dma2 semaphore(%run_scoped3A : memref<!tpu.dma_semaphore, #tpu.memory_space<semaphore_mem>>) src(%dma_wait3A_21 : memref<96x128xi32, #tpu.memory_space<hbm>>) dst(%arg8 : memref<96x128xi32, #tpu.memory_space<vmem>>)
      tpu.yield
    }) : () -> ()
    %mul3A = arith.constant 632 : i32
    %mul3A_0 = arith.muli %arg1, %mul3A : i32
    "tpu.region"() ({
      %run_scoped3A = tpu.sem_alloc : memref<!tpu.dma_semaphore, #tpu.memory_space<semaphore_mem>>
      %dma_start3A = arith.constant 0 : i32
      %dma_start3A_8 = tpu.memref_slice %arg10[%mul3A_0, %dma_start3A] : memref<10112x128xf32, #tpu.memory_space<vmem_shared>> -> memref<632x128xf32, #tpu.memory_space<vmem_shared>>
      tpu.enqueue_dma source(%arg5 : memref<632x128xf32, #tpu.memory_space<hbm>>) target(%dma_start3A_8 : memref<632x128xf32, #tpu.memory_space<vmem_shared>>) target_semaphore(%run_scoped3A : memref<!tpu.dma_semaphore, #tpu.memory_space<semaphore_mem>>)
      %dma_wait3A = arith.constant 0 : i32
      %dma_wait3A_9 = tpu.memref_slice %arg10[%mul3A_0, %dma_wait3A] : memref<10112x128xf32, #tpu.memory_space<vmem_shared>> -> memref<632x128xf32, #tpu.memory_space<vmem_shared>>
      tpu.wait_dma2 semaphore(%run_scoped3A : memref<!tpu.dma_semaphore, #tpu.memory_space<semaphore_mem>>) src(%arg5 : memref<632x128xf32, #tpu.memory_space<hbm>>) dst(%dma_wait3A_9 : memref<632x128xf32, #tpu.memory_space<vmem_shared>>)
      tpu.yield
    }) : () -> ()
    %barrier3A = arith.constant 0 : index
    tpu.barrier barrier_id(%barrier3A)
    %scan3A = arith.constant 0 : i32
    %scan3A_1 = arith.constant 0 : i32
    %scan3A_2 = arith.constant 96 : i32
    %scan3A_3 = arith.addi %scan3A_1, %scan3A_2 : i32
    %scan3A_4 = arith.constant 1 : i32
    %scan3A_5 = scf.for %scan3A_8 = %scan3A_1 to %scan3A_3 step %scan3A_4 iter_args(%scan3A_9 = %scan3A) -> (i32)  : i32 {
      "tpu.region"() ({
        %run_scoped3A = tpu.sem_alloc : memref<!tpu.dma_semaphore, #tpu.memory_space<semaphore_mem>>
        %dma_start3A = arith.constant 0 : i32
        %dma_start3A_11 = tpu.memref_slice %arg7[%scan3A_8, %dma_start3A] : memref<96x128xi32, #tpu.memory_space<vmem>> -> memref<1x128xi32, #tpu.memory_space<vmem>>
        %dma_start3A_12 = tpu.memref_squeeze %dma_start3A_11 : memref<1x128xi32, #tpu.memory_space<vmem>> -> memref<128xi32, #tpu.memory_space<vmem>>
        %dma_start3A_13 = arith.constant 0 : i32
        %dma_start3A_14 = arith.constant 0 : i32
        %dma_start3A_15 = tpu.memref_slice %arg2[%dma_start3A_13, %dma_start3A_14] : memref<10000x128xf32, #tpu.memory_space<hbm>> -> memref<10000x128xf32, #tpu.memory_space<hbm>>
        tpu.enqueue_indirect_dma source(%dma_start3A_15 : memref<10000x128xf32, #tpu.memory_space<hbm>>) target(%arg9 : memref<128x128xf32, #tpu.memory_space<vmem>>) offsets(%dma_start3A_12 : memref<128xi32, #tpu.memory_space<vmem>>) semaphore(%run_scoped3A : memref<!tpu.dma_semaphore, #tpu.memory_space<semaphore_mem>>)
        %dma_wait3A = arith.constant 0 : i32
        %dma_wait3A_16 = tpu.memref_slice %arg7[%scan3A_8, %dma_wait3A] : memref<96x128xi32, #tpu.memory_space<vmem>> -> memref<1x128xi32, #tpu.memory_space<vmem>>
        %dma_wait3A_17 = tpu.memref_squeeze %dma_wait3A_16 : memref<1x128xi32, #tpu.memory_space<vmem>> -> memref<128xi32, #tpu.memory_space<vmem>>
        %dma_wait3A_18 = arith.constant 0 : i32
        %dma_wait3A_19 = arith.constant 0 : i32
        %dma_wait3A_20 = tpu.memref_slice %arg2[%dma_wait3A_18, %dma_wait3A_19] : memref<10000x128xf32, #tpu.memory_space<hbm>> -> memref<10000x128xf32, #tpu.memory_space<hbm>>
        tpu.wait_indirect_dma semaphore(%run_scoped3A : memref<!tpu.dma_semaphore, #tpu.memory_space<semaphore_mem>>) src(%dma_wait3A_20 : memref<10000x128xf32, #tpu.memory_space<hbm>>) dst(%arg9 : memref<128x128xf32, #tpu.memory_space<vmem>>)
        tpu.yield
      }) : () -> ()
      "tpu.region"() ({
        %run_scoped3A = tpu.sem_alloc : memref<!tpu.dma_semaphore, #tpu.memory_space<semaphore_mem>>
        %dma_start3A = arith.constant 0 : i32
        %dma_start3A_11 = tpu.memref_slice %arg8[%scan3A_8, %dma_start3A] : memref<96x128xi32, #tpu.memory_space<vmem>> -> memref<1x128xi32, #tpu.memory_space<vmem>>
        %dma_start3A_12 = tpu.memref_squeeze %dma_start3A_11 : memref<1x128xi32, #tpu.memory_space<vmem>> -> memref<128xi32, #tpu.memory_space<vmem>>
        %dma_start3A_13 = arith.constant 0 : i32
        %dma_start3A_14 = arith.constant 0 : i32
        %dma_start3A_15 = tpu.memref_slice %arg10[%dma_start3A_13, %dma_start3A_14] : memref<10112x128xf32, #tpu.memory_space<vmem_shared>> -> memref<10112x128xf32, #tpu.memory_space<vmem_shared>>
        tpu.enqueue_indirect_dma source(%arg9 : memref<128x128xf32, #tpu.memory_space<vmem>>) target(%dma_start3A_15 : memref<10112x128xf32, #tpu.memory_space<vmem_shared>>) offsets(%dma_start3A_12 : memref<128xi32, #tpu.memory_space<vmem>>) semaphore(%run_scoped3A : memref<!tpu.dma_semaphore, #tpu.memory_space<semaphore_mem>>) {add = true}
        %dma_wait3A = arith.constant 0 : i32
        %dma_wait3A_16 = tpu.memref_slice %arg8[%scan3A_8, %dma_wait3A] : memref<96x128xi32, #tpu.memory_space<vmem>> -> memref<1x128xi32, #tpu.memory_space<vmem>>
        %dma_wait3A_17 = tpu.memref_squeeze %dma_wait3A_16 : memref<1x128xi32, #tpu.memory_space<vmem>> -> memref<128xi32, #tpu.memory_space<vmem>>
        %dma_wait3A_18 = arith.constant 0 : i32
        %dma_wait3A_19 = arith.constant 0 : i32
        %dma_wait3A_20 = tpu.memref_slice %arg10[%dma_wait3A_18, %dma_wait3A_19] : memref<10112x128xf32, #tpu.memory_space<vmem_shared>> -> memref<10112x128xf32, #tpu.memory_space<vmem_shared>>
        tpu.wait_indirect_dma semaphore(%run_scoped3A : memref<!tpu.dma_semaphore, #tpu.memory_space<semaphore_mem>>) src(%arg9 : memref<128x128xf32, #tpu.memory_space<vmem>>) dst(%dma_wait3A_20 : memref<10112x128xf32, #tpu.memory_space<vmem_shared>>)
        tpu.yield
      }) : () -> ()
      %scan3A_10 = arith.constant 0 : i32
      scf.yield %scan3A_10 : i32
    }
    %scan3A_6 = arith.constant 96 : i32
    %barrier3A_7 = arith.constant 0 : index
    tpu.barrier barrier_id(%barrier3A_7)
    "tpu.region"() ({
      %run_scoped3A = tpu.sem_alloc : memref<!tpu.dma_semaphore, #tpu.memory_space<semaphore_mem>>
      %dma_start3A = arith.constant 0 : i32
      %dma_start3A_8 = tpu.memref_slice %arg6[%arg0, %mul3A_0, %dma_start3A] : memref<2x10112x128xf32, #tpu.memory_space<hbm>> -> memref<1x632x128xf32, #tpu.memory_space<hbm>>
      %dma_start3A_9 = tpu.memref_squeeze %dma_start3A_8 : memref<1x632x128xf32, #tpu.memory_space<hbm>> -> memref<632x128xf32, #tpu.memory_space<hbm>>
      %dma_start3A_10 = arith.constant 0 : i32
      %dma_start3A_11 = tpu.memref_slice %arg10[%mul3A_0, %dma_start3A_10] : memref<10112x128xf32, #tpu.memory_space<vmem_shared>> -> memref<632x128xf32, #tpu.memory_space<vmem_shared>>
      tpu.enqueue_dma source(%dma_start3A_11 : memref<632x128xf32, #tpu.memory_space<vmem_shared>>) target(%dma_start3A_9 : memref<632x128xf32, #tpu.memory_space<hbm>>) target_semaphore(%run_scoped3A : memref<!tpu.dma_semaphore, #tpu.memory_space<semaphore_mem>>)
      %dma_wait3A = arith.constant 0 : i32
      %dma_wait3A_12 = tpu.memref_slice %arg6[%arg0, %mul3A_0, %dma_wait3A] : memref<2x10112x128xf32, #tpu.memory_space<hbm>> -> memref<1x632x128xf32, #tpu.memory_space<hbm>>
      %dma_wait3A_13 = tpu.memref_squeeze %dma_wait3A_12 : memref<1x632x128xf32, #tpu.memory_space<hbm>> -> memref<632x128xf32, #tpu.memory_space<hbm>>
      %dma_wait3A_14 = arith.constant 0 : i32
      %dma_wait3A_15 = tpu.memref_slice %arg10[%mul3A_0, %dma_wait3A_14] : memref<10112x128xf32, #tpu.memory_space<vmem_shared>> -> memref<632x128xf32, #tpu.memory_space<vmem_shared>>
      tpu.wait_dma2 semaphore(%run_scoped3A : memref<!tpu.dma_semaphore, #tpu.memory_space<semaphore_mem>>) src(%dma_wait3A_15 : memref<632x128xf32, #tpu.memory_space<vmem_shared>>) dst(%dma_wait3A_13 : memref<632x128xf32, #tpu.memory_space<hbm>>)
      tpu.yield
    }) : () -> ()
    return
  }
}

module attributes {stable_mosaic.version = 14 : i64} {
  func.func @_pre_body(%arg0: memref<2x10112x16xf32, #tpu.memory_space<vmem>>, %arg1: memref<10000x128xf32, #tpu.memory_space<vmem>>, %arg2: memref<128x128xf32, #tpu.memory_space<vmem>>, %arg3: memref<10000x1xf32, #tpu.memory_space<vmem>>, %arg4: memref<10000x128xf32, #tpu.memory_space<vmem>>) attributes {dimension_semantics = [], scalar_prefetch = 0 : i64, scratch_operands = 0 : i64, tpu.core_type = #tpu.core_type<tc>} {
    %get3A = arith.constant 0 : index
    %get3A_0 = arith.constant 0 : index
    %get3A_1 = arith.constant 0 : index
    %get3A_2 = vector.load %arg0[%get3A, %get3A_0, %get3A_1] : memref<2x10112x16xf32, #tpu.memory_space<vmem>>, vector<2x10112x16xf32>
    %slice3A = vector.extract_strided_slice %get3A_2 {offsets = [0, 0, 0], sizes = [1, 10000, 1], strides = [1, 1, 1]} : vector<2x10112x16xf32> to vector<1x10000x1xf32>
    %squeeze3A = vector.shape_cast %slice3A : vector<1x10000x1xf32> to vector<10000x1xf32>
    %slice3A_3 = vector.extract_strided_slice %get3A_2 {offsets = [1, 0, 0], sizes = [1, 10000, 1], strides = [1, 1, 1]} : vector<2x10112x16xf32> to vector<1x10000x1xf32>
    %squeeze3A_4 = vector.shape_cast %slice3A_3 : vector<1x10000x1xf32> to vector<10000x1xf32>
    %add3A = arith.addf %squeeze3A, %squeeze3A_4 : vector<10000x1xf32>
    %add3A_5 = arith.constant 1.000000e+00 : f32
    %add3A_6 = vector.broadcast %add3A_5 : f32 to vector<10000x1xf32>
    %add3A_7 = arith.addf %add3A, %add3A_6 : vector<10000x1xf32>
    %sqrt3A = math.sqrt %add3A_7 : vector<10000x1xf32>
    %div3A = arith.constant 1.000000e+00 : f32
    %div3A_8 = vector.broadcast %div3A : f32 to vector<10000x1xf32>
    %div3A_9 = arith.divf %div3A_8, %sqrt3A : vector<10000x1xf32>
    %swap3A = arith.constant 0 : index
    %swap3A_10 = arith.constant 0 : index
    %swap3A_11 = vector.load %arg3[%swap3A, %swap3A_10] : memref<10000x1xf32, #tpu.memory_space<vmem>>, vector<10000x1xf32>
    tpu.vector_store %arg3[%swap3A, %swap3A_10], %div3A_9 {strides = array<i32>} : memref<10000x1xf32, #tpu.memory_space<vmem>>, vector<10000x1xf32>,
    %get3A_12 = arith.constant 0 : index
    %get3A_13 = arith.constant 0 : index
    %get3A_14 = vector.load %arg1[%get3A_12, %get3A_13] : memref<10000x128xf32, #tpu.memory_space<vmem>>, vector<10000x128xf32>
    %get3A_15 = arith.constant 0 : index
    %get3A_16 = arith.constant 0 : index
    %get3A_17 = vector.load %arg2[%get3A_15, %get3A_16] : memref<128x128xf32, #tpu.memory_space<vmem>>, vector<128x128xf32>
    %dot_general3A = arith.constant dense<0.000000e+00> : vector<10000x128xf32>
    %dot_general3A_18 = tpu.matmul %get3A_14, %get3A_17, %dot_general3A {dimension_numbers = #tpu.dot_dimension_numbers<[1], [0], [0], [1], [0, 0, 1, 1], [], []>, transpose_lhs_hint = false} : vector<10000x128xf32>, vector<128x128xf32>, vector<10000x128xf32> -> vector<10000x128xf32>
    %mul3A = vector.broadcast %div3A_9 : vector<10000x1xf32> to vector<10000x128xf32>
    %mul3A_19 = arith.mulf %mul3A, %dot_general3A_18 : vector<10000x128xf32>
    %swap3A_20 = arith.constant 0 : index
    %swap3A_21 = arith.constant 0 : index
    %swap3A_22 = vector.load %arg4[%swap3A_20, %swap3A_21] : memref<10000x128xf32, #tpu.memory_space<vmem>>, vector<10000x128xf32>
    tpu.vector_store %arg4[%swap3A_20, %swap3A_21], %mul3A_19 {strides = array<i32>} : memref<10000x128xf32, #tpu.memory_space<vmem>>, vector<10000x128xf32>,
    return
  }
}

module attributes {stable_mosaic.version = 14 : i64} {
  func.func @_mid_body(%arg0: memref<2x10112x128xf32, #tpu.memory_space<vmem>>, %arg1: memref<10000x128xf32, #tpu.memory_space<vmem>>, %arg2: memref<10000x1xf32, #tpu.memory_space<vmem>>, %arg3: memref<1x128xf32, #tpu.memory_space<vmem>>, %arg4: memref<1x128xf32, #tpu.memory_space<vmem>>, %arg5: memref<1x128xf32, #tpu.memory_space<vmem>>, %arg6: memref<128x128xf32, #tpu.memory_space<vmem>>, %arg7: memref<10000x128xf32, #tpu.memory_space<vmem>>, %arg8: memref<10000x128xf32, #tpu.memory_space<vmem>>) attributes {dimension_semantics = [], scalar_prefetch = 0 : i64, scratch_operands = 0 : i64, tpu.core_type = #tpu.core_type<tc>} {
    %get3A = arith.constant 0 : index
    %get3A_0 = arith.constant 0 : index
    %get3A_1 = vector.load %arg1[%get3A, %get3A_0] : memref<10000x128xf32, #tpu.memory_space<vmem>>, vector<10000x128xf32>
    %get3A_2 = arith.constant 0 : index
    %get3A_3 = arith.constant 0 : index
    %get3A_4 = arith.constant 0 : index
    %get3A_5 = vector.load %arg0[%get3A_2, %get3A_3, %get3A_4] : memref<2x10112x128xf32, #tpu.memory_space<vmem>>, vector<2x10112x128xf32>
    %get3A_6 = arith.constant 0 : index
    %get3A_7 = arith.constant 0 : index
    %get3A_8 = vector.load %arg2[%get3A_6, %get3A_7] : memref<10000x1xf32, #tpu.memory_space<vmem>>, vector<10000x1xf32>
    %slice3A = vector.extract_strided_slice %get3A_5 {offsets = [0, 0, 0], sizes = [1, 10000, 128], strides = [1, 1, 1]} : vector<2x10112x128xf32> to vector<1x10000x128xf32>
    %squeeze3A = vector.shape_cast %slice3A : vector<1x10000x128xf32> to vector<10000x128xf32>
    %slice3A_9 = vector.extract_strided_slice %get3A_5 {offsets = [1, 0, 0], sizes = [1, 10000, 128], strides = [1, 1, 1]} : vector<2x10112x128xf32> to vector<1x10000x128xf32>
    %squeeze3A_10 = vector.shape_cast %slice3A_9 : vector<1x10000x128xf32> to vector<10000x128xf32>
    %add3A = arith.addf %squeeze3A, %squeeze3A_10 : vector<10000x128xf32>
    %add3A_11 = arith.addf %add3A, %get3A_1 : vector<10000x128xf32>
    %mul3A = vector.broadcast %get3A_8 : vector<10000x1xf32> to vector<10000x128xf32>
    %mul3A_12 = arith.mulf %mul3A, %add3A_11 : vector<10000x128xf32>
    %get3A_13 = arith.constant 0 : index
    %get3A_14 = arith.constant 0 : index
    %get3A_15 = vector.load %arg3[%get3A_13, %get3A_14] : memref<1x128xf32, #tpu.memory_space<vmem>>, vector<1x128xf32>
    %add3A_16 = vector.broadcast %get3A_15 : vector<1x128xf32> to vector<10000x128xf32>
    %add3A_17 = arith.addf %mul3A_12, %add3A_16 : vector<10000x128xf32>
    %reduce_sum3A = arith.constant dense<0.000000e+00> : vector<128xf32>
    %reduce_sum3A_18 = vector.multi_reduction <add>, %add3A_17, %reduce_sum3A [0] : vector<10000x128xf32> to vector<128xf32>
    %broadcast_in_dim3A = vector.shape_cast %reduce_sum3A_18 : vector<128xf32> to vector<1x128xf32>
    %div3A = arith.constant 1.000000e+04 : f32
    %div3A_19 = vector.broadcast %div3A : f32 to vector<1x128xf32>
    %div3A_20 = arith.divf %broadcast_in_dim3A, %div3A_19 : vector<1x128xf32>
    %sub3A = vector.broadcast %div3A_20 : vector<1x128xf32> to vector<10000x128xf32>
    %sub3A_21 = arith.subf %add3A_17, %sub3A : vector<10000x128xf32>
    %mul3A_22 = arith.mulf %sub3A_21, %sub3A_21 : vector<10000x128xf32>
    %reduce_sum3A_23 = arith.constant dense<0.000000e+00> : vector<128xf32>
    %reduce_sum3A_24 = vector.multi_reduction <add>, %mul3A_22, %reduce_sum3A_23 [0] : vector<10000x128xf32> to vector<128xf32>
    %broadcast_in_dim3A_25 = vector.shape_cast %reduce_sum3A_24 : vector<128xf32> to vector<1x128xf32>
    %div3A_26 = arith.constant 1.000000e+04 : f32
    %div3A_27 = vector.broadcast %div3A_26 : f32 to vector<1x128xf32>
    %div3A_28 = arith.divf %broadcast_in_dim3A_25, %div3A_27 : vector<1x128xf32>
    %get3A_29 = arith.constant 0 : index
    %get3A_30 = arith.constant 0 : index
    %get3A_31 = vector.load %arg4[%get3A_29, %get3A_30] : memref<1x128xf32, #tpu.memory_space<vmem>>, vector<1x128xf32>
    %mul3A_32 = vector.broadcast %get3A_31 : vector<1x128xf32> to vector<10000x128xf32>
    %mul3A_33 = arith.mulf %mul3A_32, %sub3A_21 : vector<10000x128xf32>
    %add3A_34 = arith.constant 9.99999974E-6 : f32
    %add3A_35 = vector.broadcast %add3A_34 : f32 to vector<1x128xf32>
    %add3A_36 = arith.addf %div3A_28, %add3A_35 : vector<1x128xf32>
    %sqrt3A = math.sqrt %add3A_36 : vector<1x128xf32>
    %div3A_37 = vector.broadcast %sqrt3A : vector<1x128xf32> to vector<10000x128xf32>
    %div3A_38 = arith.divf %mul3A_33, %div3A_37 : vector<10000x128xf32>
    %get3A_39 = arith.constant 0 : index
    %get3A_40 = arith.constant 0 : index
    %get3A_41 = vector.load %arg5[%get3A_39, %get3A_40] : memref<1x128xf32, #tpu.memory_space<vmem>>, vector<1x128xf32>
    %add3A_42 = vector.broadcast %get3A_41 : vector<1x128xf32> to vector<10000x128xf32>
    %add3A_43 = arith.addf %div3A_38, %add3A_42 : vector<10000x128xf32>
    %max3A = arith.constant 0.000000e+00 : f32
    %max3A_44 = vector.broadcast %max3A : f32 to vector<10000x128xf32>
    %max3A_45 = arith.maximumf %add3A_43, %max3A_44 : vector<10000x128xf32>
    %swap3A = arith.constant 0 : index
    %swap3A_46 = arith.constant 0 : index
    %swap3A_47 = vector.load %arg7[%swap3A, %swap3A_46] : memref<10000x128xf32, #tpu.memory_space<vmem>>, vector<10000x128xf32>
    tpu.vector_store %arg7[%swap3A, %swap3A_46], %max3A_45 {strides = array<i32>} : memref<10000x128xf32, #tpu.memory_space<vmem>>, vector<10000x128xf32>,
    %get3A_48 = arith.constant 0 : index
    %get3A_49 = arith.constant 0 : index
    %get3A_50 = vector.load %arg6[%get3A_48, %get3A_49] : memref<128x128xf32, #tpu.memory_space<vmem>>, vector<128x128xf32>
    %dot_general3A = arith.constant dense<0.000000e+00> : vector<10000x128xf32>
    %dot_general3A_51 = tpu.matmul %max3A_45, %get3A_50, %dot_general3A {dimension_numbers = #tpu.dot_dimension_numbers<[1], [0], [0], [1], [0, 0, 1, 1], [], []>, transpose_lhs_hint = false} : vector<10000x128xf32>, vector<128x128xf32>, vector<10000x128xf32> -> vector<10000x128xf32>
    %mul3A_52 = vector.broadcast %get3A_8 : vector<10000x1xf32> to vector<10000x128xf32>
    %mul3A_53 = arith.mulf %mul3A_52, %dot_general3A_51 : vector<10000x128xf32>
    %swap3A_54 = arith.constant 0 : index
    %swap3A_55 = arith.constant 0 : index
    %swap3A_56 = vector.load %arg8[%swap3A_54, %swap3A_55] : memref<10000x128xf32, #tpu.memory_space<vmem>>, vector<10000x128xf32>
    tpu.vector_store %arg8[%swap3A_54, %swap3A_55], %mul3A_53 {strides = array<i32>} : memref<10000x128xf32, #tpu.memory_space<vmem>>, vector<10000x128xf32>,
    return
  }
}

module attributes {stable_mosaic.version = 14 : i64} {
  func.func @_mid_body_resid(%arg0: memref<2x10112x128xf32, #tpu.memory_space<vmem>>, %arg1: memref<10000x128xf32, #tpu.memory_space<vmem>>, %arg2: memref<10000x1xf32, #tpu.memory_space<vmem>>, %arg3: memref<1x128xf32, #tpu.memory_space<vmem>>, %arg4: memref<1x128xf32, #tpu.memory_space<vmem>>, %arg5: memref<1x128xf32, #tpu.memory_space<vmem>>, %arg6: memref<10000x128xf32, #tpu.memory_space<vmem>>, %arg7: memref<128x128xf32, #tpu.memory_space<vmem>>, %arg8: memref<10000x128xf32, #tpu.memory_space<vmem>>, %arg9: memref<10000x128xf32, #tpu.memory_space<vmem>>) attributes {dimension_semantics = [], scalar_prefetch = 0 : i64, scratch_operands = 0 : i64, tpu.core_type = #tpu.core_type<tc>} {
    %get3A = arith.constant 0 : index
    %get3A_0 = arith.constant 0 : index
    %get3A_1 = vector.load %arg1[%get3A, %get3A_0] : memref<10000x128xf32, #tpu.memory_space<vmem>>, vector<10000x128xf32>
    %get3A_2 = arith.constant 0 : index
    %get3A_3 = arith.constant 0 : index
    %get3A_4 = arith.constant 0 : index
    %get3A_5 = vector.load %arg0[%get3A_2, %get3A_3, %get3A_4] : memref<2x10112x128xf32, #tpu.memory_space<vmem>>, vector<2x10112x128xf32>
    %get3A_6 = arith.constant 0 : index
    %get3A_7 = arith.constant 0 : index
    %get3A_8 = vector.load %arg2[%get3A_6, %get3A_7] : memref<10000x1xf32, #tpu.memory_space<vmem>>, vector<10000x1xf32>
    %slice3A = vector.extract_strided_slice %get3A_5 {offsets = [0, 0, 0], sizes = [1, 10000, 128], strides = [1, 1, 1]} : vector<2x10112x128xf32> to vector<1x10000x128xf32>
    %squeeze3A = vector.shape_cast %slice3A : vector<1x10000x128xf32> to vector<10000x128xf32>
    %slice3A_9 = vector.extract_strided_slice %get3A_5 {offsets = [1, 0, 0], sizes = [1, 10000, 128], strides = [1, 1, 1]} : vector<2x10112x128xf32> to vector<1x10000x128xf32>
    %squeeze3A_10 = vector.shape_cast %slice3A_9 : vector<1x10000x128xf32> to vector<10000x128xf32>
    %add3A = arith.addf %squeeze3A, %squeeze3A_10 : vector<10000x128xf32>
    %add3A_11 = arith.addf %add3A, %get3A_1 : vector<10000x128xf32>
    %mul3A = vector.broadcast %get3A_8 : vector<10000x1xf32> to vector<10000x128xf32>
    %mul3A_12 = arith.mulf %mul3A, %add3A_11 : vector<10000x128xf32>
    %get3A_13 = arith.constant 0 : index
    %get3A_14 = arith.constant 0 : index
    %get3A_15 = vector.load %arg3[%get3A_13, %get3A_14] : memref<1x128xf32, #tpu.memory_space<vmem>>, vector<1x128xf32>
    %add3A_16 = vector.broadcast %get3A_15 : vector<1x128xf32> to vector<10000x128xf32>
    %add3A_17 = arith.addf %mul3A_12, %add3A_16 : vector<10000x128xf32>
    %reduce_sum3A = arith.constant dense<0.000000e+00> : vector<128xf32>
    %reduce_sum3A_18 = vector.multi_reduction <add>, %add3A_17, %reduce_sum3A [0] : vector<10000x128xf32> to vector<128xf32>
    %broadcast_in_dim3A = vector.shape_cast %reduce_sum3A_18 : vector<128xf32> to vector<1x128xf32>
    %div3A = arith.constant 1.000000e+04 : f32
    %div3A_19 = vector.broadcast %div3A : f32 to vector<1x128xf32>
    %div3A_20 = arith.divf %broadcast_in_dim3A, %div3A_19 : vector<1x128xf32>
    %sub3A = vector.broadcast %div3A_20 : vector<1x128xf32> to vector<10000x128xf32>
    %sub3A_21 = arith.subf %add3A_17, %sub3A : vector<10000x128xf32>
    %mul3A_22 = arith.mulf %sub3A_21, %sub3A_21 : vector<10000x128xf32>
    %reduce_sum3A_23 = arith.constant dense<0.000000e+00> : vector<128xf32>
    %reduce_sum3A_24 = vector.multi_reduction <add>, %mul3A_22, %reduce_sum3A_23 [0] : vector<10000x128xf32> to vector<128xf32>
    %broadcast_in_dim3A_25 = vector.shape_cast %reduce_sum3A_24 : vector<128xf32> to vector<1x128xf32>
    %div3A_26 = arith.constant 1.000000e+04 : f32
    %div3A_27 = vector.broadcast %div3A_26 : f32 to vector<1x128xf32>
    %div3A_28 = arith.divf %broadcast_in_dim3A_25, %div3A_27 : vector<1x128xf32>
    %get3A_29 = arith.constant 0 : index
    %get3A_30 = arith.constant 0 : index
    %get3A_31 = vector.load %arg4[%get3A_29, %get3A_30] : memref<1x128xf32, #tpu.memory_space<vmem>>, vector<1x128xf32>
    %mul3A_32 = vector.broadcast %get3A_31 : vector<1x128xf32> to vector<10000x128xf32>
    %mul3A_33 = arith.mulf %mul3A_32, %sub3A_21 : vector<10000x128xf32>
    %add3A_34 = arith.constant 9.99999974E-6 : f32
    %add3A_35 = vector.broadcast %add3A_34 : f32 to vector<1x128xf32>
    %add3A_36 = arith.addf %div3A_28, %add3A_35 : vector<1x128xf32>
    %sqrt3A = math.sqrt %add3A_36 : vector<1x128xf32>
    %div3A_37 = vector.broadcast %sqrt3A : vector<1x128xf32> to vector<10000x128xf32>
    %div3A_38 = arith.divf %mul3A_33, %div3A_37 : vector<10000x128xf32>
    %get3A_39 = arith.constant 0 : index
    %get3A_40 = arith.constant 0 : index
    %get3A_41 = vector.load %arg5[%get3A_39, %get3A_40] : memref<1x128xf32, #tpu.memory_space<vmem>>, vector<1x128xf32>
    %add3A_42 = vector.broadcast %get3A_41 : vector<1x128xf32> to vector<10000x128xf32>
    %add3A_43 = arith.addf %div3A_38, %add3A_42 : vector<10000x128xf32>
    %max3A = arith.constant 0.000000e+00 : f32
    %max3A_44 = vector.broadcast %max3A : f32 to vector<10000x128xf32>
    %max3A_45 = arith.maximumf %add3A_43, %max3A_44 : vector<10000x128xf32>
    %get3A_46 = arith.constant 0 : index
    %get3A_47 = arith.constant 0 : index
    %get3A_48 = vector.load %arg6[%get3A_46, %get3A_47] : memref<10000x128xf32, #tpu.memory_space<vmem>>, vector<10000x128xf32>
    %add3A_49 = arith.addf %get3A_48, %max3A_45 : vector<10000x128xf32>
    %swap3A = arith.constant 0 : index
    %swap3A_50 = arith.constant 0 : index
    %swap3A_51 = vector.load %arg8[%swap3A, %swap3A_50] : memref<10000x128xf32, #tpu.memory_space<vmem>>, vector<10000x128xf32>
    tpu.vector_store %arg8[%swap3A, %swap3A_50], %add3A_49 {strides = array<i32>} : memref<10000x128xf32, #tpu.memory_space<vmem>>, vector<10000x128xf32>,
    %get3A_52 = arith.constant 0 : index
    %get3A_53 = arith.constant 0 : index
    %get3A_54 = vector.load %arg7[%get3A_52, %get3A_53] : memref<128x128xf32, #tpu.memory_space<vmem>>, vector<128x128xf32>
    %dot_general3A = arith.constant dense<0.000000e+00> : vector<10000x128xf32>
    %dot_general3A_55 = tpu.matmul %add3A_49, %get3A_54, %dot_general3A {dimension_numbers = #tpu.dot_dimension_numbers<[1], [0], [0], [1], [0, 0, 1, 1], [], []>, transpose_lhs_hint = false} : vector<10000x128xf32>, vector<128x128xf32>, vector<10000x128xf32> -> vector<10000x128xf32>
    %mul3A_56 = vector.broadcast %get3A_8 : vector<10000x1xf32> to vector<10000x128xf32>
    %mul3A_57 = arith.mulf %mul3A_56, %dot_general3A_55 : vector<10000x128xf32>
    %swap3A_58 = arith.constant 0 : index
    %swap3A_59 = arith.constant 0 : index
    %swap3A_60 = vector.load %arg9[%swap3A_58, %swap3A_59] : memref<10000x128xf32, #tpu.memory_space<vmem>>, vector<10000x128xf32>
    tpu.vector_store %arg9[%swap3A_58, %swap3A_59], %mul3A_57 {strides = array<i32>} : memref<10000x128xf32, #tpu.memory_space<vmem>>, vector<10000x128xf32>,
    return
  }
}

module attributes {stable_mosaic.version = 14 : i64} {
  func.func @_fin_body(%arg0: memref<2x10112x128xf32, #tpu.memory_space<vmem>>, %arg1: memref<10000x128xf32, #tpu.memory_space<vmem>>, %arg2: memref<10000x1xf32, #tpu.memory_space<vmem>>, %arg3: memref<1x128xf32, #tpu.memory_space<vmem>>, %arg4: memref<1x128xf32, #tpu.memory_space<vmem>>, %arg5: memref<1x128xf32, #tpu.memory_space<vmem>>, %arg6: memref<10000x128xf32, #tpu.memory_space<vmem>>, %arg7: memref<10000x128xf32, #tpu.memory_space<vmem>>) attributes {dimension_semantics = [], scalar_prefetch = 0 : i64, scratch_operands = 0 : i64, tpu.core_type = #tpu.core_type<tc>} {
    %get3A = arith.constant 0 : index
    %get3A_0 = arith.constant 0 : index
    %get3A_1 = vector.load %arg1[%get3A, %get3A_0] : memref<10000x128xf32, #tpu.memory_space<vmem>>, vector<10000x128xf32>
    %get3A_2 = arith.constant 0 : index
    %get3A_3 = arith.constant 0 : index
    %get3A_4 = arith.constant 0 : index
    %get3A_5 = vector.load %arg0[%get3A_2, %get3A_3, %get3A_4] : memref<2x10112x128xf32, #tpu.memory_space<vmem>>, vector<2x10112x128xf32>
    %get3A_6 = arith.constant 0 : index
    %get3A_7 = arith.constant 0 : index
    %get3A_8 = vector.load %arg2[%get3A_6, %get3A_7] : memref<10000x1xf32, #tpu.memory_space<vmem>>, vector<10000x1xf32>
    %slice3A = vector.extract_strided_slice %get3A_5 {offsets = [0, 0, 0], sizes = [1, 10000, 128], strides = [1, 1, 1]} : vector<2x10112x128xf32> to vector<1x10000x128xf32>
    %squeeze3A = vector.shape_cast %slice3A : vector<1x10000x128xf32> to vector<10000x128xf32>
    %slice3A_9 = vector.extract_strided_slice %get3A_5 {offsets = [1, 0, 0], sizes = [1, 10000, 128], strides = [1, 1, 1]} : vector<2x10112x128xf32> to vector<1x10000x128xf32>
    %squeeze3A_10 = vector.shape_cast %slice3A_9 : vector<1x10000x128xf32> to vector<10000x128xf32>
    %add3A = arith.addf %squeeze3A, %squeeze3A_10 : vector<10000x128xf32>
    %add3A_11 = arith.addf %add3A, %get3A_1 : vector<10000x128xf32>
    %mul3A = vector.broadcast %get3A_8 : vector<10000x1xf32> to vector<10000x128xf32>
    %mul3A_12 = arith.mulf %mul3A, %add3A_11 : vector<10000x128xf32>
    %get3A_13 = arith.constant 0 : index
    %get3A_14 = arith.constant 0 : index
    %get3A_15 = vector.load %arg3[%get3A_13, %get3A_14] : memref<1x128xf32, #tpu.memory_space<vmem>>, vector<1x128xf32>
    %add3A_16 = vector.broadcast %get3A_15 : vector<1x128xf32> to vector<10000x128xf32>
    %add3A_17 = arith.addf %mul3A_12, %add3A_16 : vector<10000x128xf32>
    %reduce_sum3A = arith.constant dense<0.000000e+00> : vector<128xf32>
    %reduce_sum3A_18 = vector.multi_reduction <add>, %add3A_17, %reduce_sum3A [0] : vector<10000x128xf32> to vector<128xf32>
    %broadcast_in_dim3A = vector.shape_cast %reduce_sum3A_18 : vector<128xf32> to vector<1x128xf32>
    %div3A = arith.constant 1.000000e+04 : f32
    %div3A_19 = vector.broadcast %div3A : f32 to vector<1x128xf32>
    %div3A_20 = arith.divf %broadcast_in_dim3A, %div3A_19 : vector<1x128xf32>
    %sub3A = vector.broadcast %div3A_20 : vector<1x128xf32> to vector<10000x128xf32>
    %sub3A_21 = arith.subf %add3A_17, %sub3A : vector<10000x128xf32>
    %mul3A_22 = arith.mulf %sub3A_21, %sub3A_21 : vector<10000x128xf32>
    %reduce_sum3A_23 = arith.constant dense<0.000000e+00> : vector<128xf32>
    %reduce_sum3A_24 = vector.multi_reduction <add>, %mul3A_22, %reduce_sum3A_23 [0] : vector<10000x128xf32> to vector<128xf32>
    %broadcast_in_dim3A_25 = vector.shape_cast %reduce_sum3A_24 : vector<128xf32> to vector<1x128xf32>
    %div3A_26 = arith.constant 1.000000e+04 : f32
    %div3A_27 = vector.broadcast %div3A_26 : f32 to vector<1x128xf32>
    %div3A_28 = arith.divf %broadcast_in_dim3A_25, %div3A_27 : vector<1x128xf32>
    %get3A_29 = arith.constant 0 : index
    %get3A_30 = arith.constant 0 : index
    %get3A_31 = vector.load %arg4[%get3A_29, %get3A_30] : memref<1x128xf32, #tpu.memory_space<vmem>>, vector<1x128xf32>
    %mul3A_32 = vector.broadcast %get3A_31 : vector<1x128xf32> to vector<10000x128xf32>
    %mul3A_33 = arith.mulf %mul3A_32, %sub3A_21 : vector<10000x128xf32>
    %add3A_34 = arith.constant 9.99999974E-6 : f32
    %add3A_35 = vector.broadcast %add3A_34 : f32 to vector<1x128xf32>
    %add3A_36 = arith.addf %div3A_28, %add3A_35 : vector<1x128xf32>
    %sqrt3A = math.sqrt %add3A_36 : vector<1x128xf32>
    %div3A_37 = vector.broadcast %sqrt3A : vector<1x128xf32> to vector<10000x128xf32>
    %div3A_38 = arith.divf %mul3A_33, %div3A_37 : vector<10000x128xf32>
    %get3A_39 = arith.constant 0 : index
    %get3A_40 = arith.constant 0 : index
    %get3A_41 = vector.load %arg5[%get3A_39, %get3A_40] : memref<1x128xf32, #tpu.memory_space<vmem>>, vector<1x128xf32>
    %add3A_42 = vector.broadcast %get3A_41 : vector<1x128xf32> to vector<10000x128xf32>
    %add3A_43 = arith.addf %div3A_38, %add3A_42 : vector<10000x128xf32>
    %get3A_44 = arith.constant 0 : index
    %get3A_45 = arith.constant 0 : index
    %get3A_46 = vector.load %arg6[%get3A_44, %get3A_45] : memref<10000x128xf32, #tpu.memory_space<vmem>>, vector<10000x128xf32>
    %add3A_47 = arith.addf %get3A_46, %add3A_43 : vector<10000x128xf32>
    %swap3A = arith.constant 0 : index
    %swap3A_48 = arith.constant 0 : index
    %swap3A_49 = vector.load %arg7[%swap3A, %swap3A_48] : memref<10000x128xf32, #tpu.memory_space<vmem>>, vector<10000x128xf32>
    tpu.vector_store %arg7[%swap3A, %swap3A_48], %add3A_47 {strides = array<i32>} : memref<10000x128xf32, #tpu.memory_space<vmem>>, vector<10000x128xf32>,
    return
  }
}

</mosaic_0001>

<sc_bundles>
// kernel: kernel.10.cloned.1.call-start
scs
__scs_entry_jumppad:
0x0: {  	(pc) =	sbr.rel $0x88, $3  }
0x1: {  	(tag) =	ssettag $0x0;
	lr =	simm.s32 $0x1  }
0x2: {  	[smem:$0x3F93] =	sst lr;
	_ =	strace $0xD0000000  }
0x3: {  	_ = 	snop  }
0x4: {  	_ = 	snop  }
0x5: {  	_ = 	snop  }
0x6: {  	_ = 	snop  }
0x7: {  	_ = 	snop  }
__scs_overlays_trampoline_lowered:
0x8: {  	[smem:$0x3FA2] =	sst s0  }
0x9: {  	[smem:$0x3FA3] =	sst s1  }
0xa: {  	[smem:$0x3FA4] =	sst s2  }
0xb: {  	[smem:$0x3FA5] =	sst s3  }
0xc: {  	[smem:$0x3FA6] =	sst s4  }
0xd: {  	[smem:$0x3FA7] =	sst s5  }
0xe: {  	[smem:$0x3FA8] =	sst s6  }
0xf: {  	[smem:$0x3FA9] =	sst s7  }
0x10: {  	[smem:$0x3FAA] =	sst s8  }
0x11: {  	[smem:$0x3FAB] =	sst s9;
	s0 =	simm.s32 @!p0 $0x0  }
0x12: {  	s1 =	sld [smem:$0x3F91];
	s0 =	simm.s32 @p0 $0x1  }
0x13: {  	[smem:$0x3FAC] =	sst s0;
	s0 =	simm.s32 @!p1 $0x0  }
0x14: {  	s2 =	sld [smem:$0x3F90];
	s0 =	simm.s32 @p1 $0x1  }
0x15: {  	[smem:$0x3FAD] =	sst s0;
	s0 =	simm.s32 @!p2 $0x0  }
0x16: {  	s3 =	sld [smem:$0x3FDB];
	s0 =	simm.s32 @p2 $0x1  }
0x17: {  	s4 =	simm.s32 $0x1BF5;
	[smem:$0x3FAF] =	sst s0  }
0x18: {  	s0 =	sld [smem:$0x3F92];
	_ =	swait.ge [sflag:s4], $0x0  }
0x19: {  	s7 =	sld [smem:$0x3F93]  }
0x1a: {  	s8 =	sadd.s32 $0xFFFFE003, lr  }
0x1b: {  	s9 =	sadd.s32 $0xFFFFFEF7, lr;
	s5 =	simm.s32 $0xFFFFFFFF;
	p2 =	slt.u32 s8, $0xFFFFF086  }
0x1c: {  	p1 =	slt.u32 s9, $0xF7A;
	s5 =	simm.s32 @!p2 $0x0  }
0x1d: {  	s5 =	simm.s32 @p1 $0x1;
	p0 =	seq.s32 s7, s2  }
0x1e: {  	s7 =	smul.u32 @!p0 $0xF7A, s2;
	p2 =	seq.s32 @!p0 s5, $0x0  }
0x1f: {  	s9 =	smul.u32 $0xF7A, s1;
	s8 =	simm.s32 @!p0 $0x1BF5;
	p2 =	por !p2, p0  }
0x20: {  	[sflag:s8] =	ssyncset.s32 @!p0 $0xFFFFF086;
	s6 =	sadd.s32 @!p0 s3, s7;
	s7 =	simm.s32 @!p0 $0x108  }
0x21: {  	s3 =	sadd.s32 s3, s9;
	s6 =	sadd.s32 @!p0 $0x88, s6;
	s7 =	simm.s32 @p2 $0x1082  }
0x22: {  	[simem:s7], [sflag:s8] =	dma.local @!p0 [hbm:s6], $0xF7A  }
0x23: {  	s9 =	sor.u32 $0xD0000000, s2;
	s6 =	simm.s32 $0x108;
	_ =	swait.ge @!p0 [sflag:s8], $0x0  }
0x24: {  	s3 =	sadd.s32 $0x88, s3;
	s6 =	simm.s32 @!p1 $0x1082;
	[sflag:s4] =	ssyncset.s32 $0xFFFFF086  }
0x25: {  	[simem:s6], [sflag:s4] =	dma.local [hbm:s3], $0xF7A  }
0x26: {  	[smem:$0x3F93] =	sst s1;
	(tag) =	ssettag s2;
	_ =	strace s9  }
0x27: {  	s1 =	sld [smem:$0x3FA3]  }
0x28: {  	s2 =	sld [smem:$0x3FA4]  }
0x29: {  	s4 =	sld [smem:$0x3FA6]  }
0x2a: {  	p0 =	seq.s32 s5, $0x0;
	s5 =	sld [smem:$0x3FA7]  }
0x2b: {  	s6 =	sld [smem:$0x3FA8]  }
0x2c: {  	s7 =	sld [smem:$0x3FA9]  }
0x2d: {  	s3 =	simm.s32 $0x108;
	s8 =	sld [smem:$0x3FAA]  }
0x2e: {  	s3 =	simm.s32 @!p0 $0x1082;
	s9 =	sld [smem:$0x3FAB]  }
0x2f: {  	lr =	sadd.s32 s0, s3;
	s0 =	sld [smem:$0x3FA2]  }
0x30: {  	s3 =	sld [smem:$0x3FA5]  }
0x31: {  	[smem:$0x3FAE] =	sst s10  }
0x32: {  	s10 =	sld [smem:$0x3FAC];
	_ =	sdelay $0x3  }
0x33: {  	p0 =	seq.s32 s10, $0x1;
	s10 =	sld [smem:$0x3FAE];
	_ =	sdelay $0x3  }
0x34: {  	[smem:$0x3FAE] =	sst s10  }
0x35: {  	s10 =	sld [smem:$0x3FAD];
	_ =	sdelay $0x3  }
0x36: {  	p1 =	seq.s32 s10, $0x1;
	s10 =	sld [smem:$0x3FAE];
	_ =	sdelay $0x3  }
0x37: {  	[smem:$0x3FAE] =	sst s10  }
0x38: {  	s10 =	sld [smem:$0x3FAF]  }
0x39: {  	_ = 	snop;
	(pc) =	sbr.ind lr, $3  }
0x3a: {  	_ = 	snop  }
0x3b: {  	_ = 	snop  }
0x3c: {  	p2 =	seq.s32 s10, $0x1;
	s10 =	sld [smem:$0x3FAE]  }
0x3d: {  	_ =	shalt  }
0x3e: {  	_ =	shalt  }
0x3f: {  	_ =	shalt  }
0x40: {  	_ =	shalt  }
0x41: {  	_ =	shalt  }
0x42: {  	_ =	shalt  }
0x43: {  	_ =	shalt  }
0x44: {  	_ =	shalt  }
0x45: {  	_ =	shalt  }
0x46: {  	_ =	shalt  }
0x47: {  	_ =	shalt  }
0x48: {  	_ =	shalt  }
0x49: {  	_ =	shalt  }
0x4a: {  	_ =	shalt  }
0x4b: {  	_ =	shalt  }
0x4c: {  	_ =	shalt  }
0x4d: {  	_ =	shalt  }
0x4e: {  	_ =	shalt  }
0x4f: {  	_ =	shalt  }
0x50: {  	_ =	shalt  }
0x51: {  	_ =	shalt  }
0x52: {  	_ =	shalt  }
0x53: {  	_ =	shalt  }
0x54: {  	_ =	shalt  }
0x55: {  	_ =	shalt  }
0x56: {  	_ =	shalt  }
0x57: {  	_ =	shalt  }
0x58: {  	_ =	shalt  }
0x59: {  	_ =	shalt  }
0x5a: {  	_ =	shalt  }
0x5b: {  	_ =	shalt  }
0x5c: {  	_ =	shalt  }
0x5d: {  	_ =	shalt  }
0x5e: {  	_ =	shalt  }
0x5f: {  	_ =	shalt  }
0x60: {  	_ =	shalt  }
0x61: {  	_ =	shalt  }
0x62: {  	_ =	shalt  }
0x63: {  	_ =	shalt  }
0x64: {  	_ =	shalt  }
0x65: {  	_ =	shalt  }
0x66: {  	_ =	shalt  }
0x67: {  	_ =	shalt  }
0x68: {  	_ =	shalt  }
0x69: {  	_ =	shalt  }
0x6a: {  	_ =	shalt  }
0x6b: {  	_ =	shalt  }
0x6c: {  	_ =	shalt  }
0x6d: {  	_ =	shalt  }
0x6e: {  	_ =	shalt  }
0x6f: {  	_ =	shalt  }
0x70: {  	_ =	shalt  }
0x71: {  	_ =	shalt  }
0x72: {  	_ =	shalt  }
0x73: {  	_ =	shalt  }
0x74: {  	_ =	shalt  }
0x75: {  	_ =	shalt  }
0x76: {  	_ =	shalt  }
0x77: {  	_ =	shalt  }
0x78: {  	_ =	shalt  }
0x79: {  	_ =	shalt  }
0x7a: {  	_ =	shalt  }
0x7b: {  	_ =	shalt  }
0x7c: {  	_ =	shalt  }
0x7d: {  	_ =	shalt  }
0x7e: {  	_ =	shalt  }
0x7f: {  	_ =	shalt  }
0x80: {  	_ =	shalt  }
0x81: {  	_ =	shalt  }
0x82: {  	_ =	shalt  }
0x83: {  	_ =	shalt  }
0x84: {  	_ =	shalt  }
0x85: {  	_ =	shalt  }
0x86: {  	_ =	shalt  }
0x87: {  	_ =	shalt  }
.Lfunc_end0:
.L_simem_size_0:
called_computation_lowered:
.L_overlay_start_0:
0x88: {  	s2 =	sld [smem:$0x3FD9]  }
0x89: {  	s3 =	sld [smem:$0x3FFE];
	_ =	sdelay $0x1  }
0x8a: {  	s1 =	srdreg.scid  }
0x8b: {  	s0 =	sand.u32 $0x1, s1  }
0x8c: {  	s17 =	sshll.u32 s0, $0xA;
	s2 =	sadd.s32 s3, s2  }
0x8d: {  	s2 =	sadd.s32 s2, s17  }
0x8e: {  	[smem:$0x3FBA] =	sst s2  }
0x8f: {  	_ = 	snop  }
0x90: {  	s2 =	sld [smem:$0x3FD0];
	(tm) =	ssettm $0x1  }
0x91: {  	s18 =	sld [smem:$0x3FFB];
	_ =	sdelay $0x3  }
0x92: {  	_ =	strace s18  }
0x93: {  	s3 =	sld [smem:$0x3FFC];
	_ =	sdelay $0x3  }
0x94: {  	_ =	strace s3  }
0x95: {  	s3 =	sld [smem:$0x3FFD];
	_ =	sdelay $0x3  }
0x96: {  	_ =	strace s3  }
0x97: {  	_ =	strace $0x8FFFFFFF  }
0x98: {  	s19 =	sld [smem:$0x3FDB];
	_ =	sdelay $0x1  }
0x99: {  	s4 =	simm.s32 $_scs_section_size  }
0x9a: {  	s5 =	simm.s32 $_size__tile_overlayer_lowered;
	s6 =	simm.s32 $_tile_overlayer_lowered  }
0x9b: {  	s22 =	simm.s32 $0x1BFF;
	s21 =	sshll.u32 s6, $0x1;
	s3 =	sadd.s32 s4, s19  }
0x9c: {  	s7 =	simm.s32 $0x0;
	s20 =	sshll.u32 s5, $0x1;
	s5 =	sadd.s32 s21, s3  }
0x9d: {  	[timem:s7], [sflag:s22] =	dma.local [hbm:s5], s20  }
0x9e: {  	_ =	swait.ge [sflag:s22], s20  }
0x9f: {  	s4 =	ssub.s32 $0x0, s20;
	[sflag:s22] =	ssyncset.done $0x0  }
0xa0: {  	[sflag:s22] =	ssyncadd.s32 s4;
	_ =	sdelay $0x1  }
0xa1: {  	s23 =	simm.s32 $0x1B8B  }
0xa2: {  	_ =	swait.ge [sflag:s23], $0x1  }
0xa3: {  	[sflag:s23] =	ssyncset.done $0x0  }
0xa4: {  	s25 =	simm.s32 $0x1B8E;
	s24 =	sld [smem:$0x3FFE];
	[sflag:s23] =	ssyncadd.s32 $0xFFFFFFFF  }
0xa5: {  	s26 =	simm.s32 $execute0_lowered;
	[smem:$0x3FD2] =	sst s25  }
0xa6: {  	s5 =	sshll.u32 s26, $0x1;
	_ =	strace $0x80000046;
	[dreg:$0x1] =	wrdreg $0xFFFFFFFF  }
0xa7: {  	s28 =	simm.s32 $_size_execute0_lowered;
	s3 =	sadd.s32 s3, s5;
	[dreg:$0x0] =	wrdreg $0x0  }
0xa8: {  	s5 =	sshll.u32 s28, $0x1;
	[dreg:$0x2] =	wrdreg s3  }
0xa9: {  	[dreg:$0x3] =	wrdreg s5  }
0xaa: {  	[dreg:$0x4] =	wrdreg $0xC0  }
0xab: {  	_ =	task [dreg:s7], $0x5FFFF  }
0xac: {  	[dreg:$0x1] =	wrdreg $0xFFFFFFFF  }
0xad: {  	[dreg:$0x0] =	wrdreg $0x60  }
0xae: {  	[dreg:$0x2] =	wrdreg s24  }
0xaf: {  	[dreg:$0x3] =	wrdreg s2  }
0xb0: {  	[dreg:$0x4] =	wrdreg $0x70000  }
0xb1: {  	[dreg:$0x5] =	wrdreg $0x9  }
0xb2: {  	_ =	task.clear_ibuf [dreg:s7], $0x6FFFF;
	_ =	strace $0x90000046  }
0xb3: {  	s29 =	simm.s32 $0x9;
	_ =	strace $0x80000048  }
0xb4: {  	_ =	swait.ge [sflag:s29], $0x1  }
0xb5: {  	[sflag:s29] =	ssyncadd.s32 $0xFFFFFFFF  }
0xb6: {  	_ =	strace $0x90000048  }
0xb7: {  	_ =	sfence  }
0xb8: {  	s30 =	sld [smem:$0x0];
	_ =	sdelay $0x2  }
0xb9: {  	s31 =	sshll.u32 s1, $0xD;
	s1 =	sshrl.u32 s1, $0x2  }
0xba: {  	s3 =	sand.u32 $0x4000, s31;
	s1 =	sadd.s32 s1, s30  }
0xbb: {  	s0 =	sor.u32 s3, s0;
	s1 =	sshll.u32 s1, $0x11  }
0xbc: {  	s0 =	sor.u32 s1, s0  }
0xbd: {  	s0 =	sadd.s32 $0x8F2B, s0  }
0xbe: {  	[sflag:s0] =	ssyncadd.remote.s32 $0x1  }
0xbf: {  	_ =	sfence.sel $0xFFFF  }
0xc0: {  	[dreg:$0x0] =	wrdreg $0xFFFFFFFF;
	(pc) =	sbr.abs _section_cstart, $3  }
0xc1: {  	[dreg:$0x1] =	wrdreg $0xFFFFFFFF  }
0xc2: {  	_ =	task.clear_ibuf [dreg:s7], $0x2FFFF;
	_ =	strace $0x9FFFFFFF  }
0xc3: {  	(tm) =	ssettm $0x7FFFFFFF  }
tec
execute0_lowered:
.L_overlay_start_1:
0x0: {  	(tag) =	ssettag $0x1  }
0x1: {  	s6 =	rddreg [dreg:$0x0]  }
0x2: {  	s0 =	srdreg.scid;
	s2 =	rddreg [dreg:$0x1]  }
0x3: {  	s3 =	rddreg [dreg:$0x2];
	s7 =	sand.u32 $0x1, s0  }
0x4: {  	s0 =	stileid.u32;
	s5 =	smul.u32 $0x30000, s7  }
0x5: {  	s1 =	rddreg [dreg:$0x3];
	s4 =	simm.s32 $0x0;
	s8 =	smul.u32 $0x3000, s0  }
0x6: {  	s13 =	simm.s32 $0x80;
	[smem:$0x7FF] =	sst s4;
	s9 =	smul.u32 $0x13C000, s7  }
0x7: {  	s14 =	simm.s32 $0x0;
	s28 =	smul.u32 $0x13C00, s0;
	_ =	strace $0x80000047  }
0x8: {  	s29 =	smul.u32 $0x4F000, s0;
	s7 =	ssub.s32 $0x2, s7;
	s31 =	sshll.u32 s0, $0x6  }
0x9: {  	s30 =	sshrl.u32 s7, $0x1;
	s5 =	sadd.s32 s8, s5;
	s8 =	sadd.s32 s28, s9  }
0xa: {  	s9 =	sshrl.u32 s29, $0x2;
	s11 =	ssub.s32 s7, s30;
	s5 =	sshrl.u32 s5, $0x3  }
0xb: {  	s8 =	sshrl.u32 s8, $0x3;
	s12 =	sadd.s32 s9, s3;
	s9 =	simm.s32 $0x1  }
0xc: {  	s10 =	sadd.s32 s5, s6;
	s5 =	sadd.s32 $0x1D400, s6;
	s8 =	sadd.s32 s8, s6  }
0xd: {  	s12 =	sshrl.u32 s12, $0x3;
	s6 =	sadd.s32 $0x5400, s10;
	s7 =	sadd.s32 $0x1DC00, s8  }
0xe: {  	s8 =	smax.u32 s11, $0x1;
	s10 =	simm.s32 $0x3000;
	s11 =	sor.u32 $0x1C01, s31  }
.LBB2_1:
0xf: {  	[tilespmem:s4], [sflag:$0x1] =	stream.linear.gather [hbm4b:s6+s4], $0x3000, $0x38;
	[tilespmem:$0x9780] =	vst v63  }
0x10: {  	_ =	swait.ge [sflag:s9], $0x3000  }
0x11: {  	[sflag:s9] =	ssyncset.done $0x0  }
0x12: {  	[sflag:s9] =	ssyncadd.s32 $0xFFFFD000  }
0x13: {  	[tilespmem:s10], [sflag:$0x1] =	stream.linear.gather [hbm4b:s5+s4], $0x4000, $0x38;
	[tilespmem:$0x9780] =	vst v63  }
0x14: {  	_ =	swait.ge [sflag:s9], $0x4000  }
0x15: {  	[sflag:s9] =	ssyncset.done $0x0  }
0x16: {  	[sflag:s9] =	ssyncadd.s32 $0xFFFFC000  }
0x17: {  	[spmem:s12], [sflag:s11] =	dma.local [hbm:s2], $0x2780  }
0x18: {  	_ =	swait.ge [sflag:s9], $0x2780  }
0x19: {  	[sflag:s9] =	ssyncset.done $0x0  }
0x1a: {  	[sflag:s9] =	ssyncadd.s32 $0xFFFFD880  }
0x1b: {  	s15 =	simm.s32 $0x0;
	[bflag:$0x0] =	sbarrier.arrive $0xFFFF  }
0x1c: {  	[spmem:s3] =	stream.indirect.scatter.add.f32 [tilespmem:s10], [sflag:$0x1], $0x10, s15, s13, $0xb8;
	[tilespmem:$0x9780] =	vst v63  }
0x1d: {  	_ =	swait.ge [sflag:s9], $0x800  }
0x1e: {  	s15 =	simm.s32 $0x200;
	[sflag:s9] =	ssyncset.done $0x0  }
.LBB2_2:
0x1f: {  	s16 =	sshra.s32 s15, $0x2;
	[sflag:s9] =	ssyncadd.s32 $0xFFFFF800;
	p0 =	sne.s32 s15, $0xBE00  }
0x20: {  	[spmem:s3] =	stream.indirect.scatter.add.f32 [tilespmem:s10], [sflag:$0x1], $0x10, s16, s13, $0xb8;
	[tilespmem:$0x9780] =	vst v63  }
.Ltmp0:
0x21: {  	_ = 	snop;
	(pc) =	sbr.rel @p0 .LBB2_2-.Ltmp0, $4  }
0x22: {  	_ = 	snop  }
0x23: {  	s15 =	sadd.s32 $0x200, s15  }
0x24: {  	_ =	swait.ge [sflag:s9], $0x800  }
0x25: {  	[sflag:s9] =	ssyncset.done $0x0  }
0x26: {  	s14 =	sadd.s32 $0x1, s14  }
0x27: {  	[sflag:s9] =	ssyncadd.s32 $0xFFFFF800;
	p0 =	sne.s32 s14, s8  }
.Ltmp1:
0x28: {  	[bflag:$0x0] =	sbarrier.arrive $0xFFFF;
	(pc) =	sbr.rel @p0 .LBB2_1-.Ltmp1, $4  }
0x29: {  	[hbm:s7], [sflag:s11] =	dma.local [spmem:s12], $0x2780  }
0x2a: {  	_ =	swait.ge [sflag:s9], $0x2780  }
0x2b: {  	[sflag:s9] =	ssyncset.done $0x0  }
0x2c: {  	[sflag:s9] =	ssyncadd.s32 $0xFFFFD880  }
0x2d: {  	_ =	sfence.sel $0x180000  }
0x2e: {  	[bflag:$0x0] =	sbarrier.arrive $0xFFFF  }
0x2f: {  	p0 =	sne.s32 s0, $0x0;
	_ =	strace $0x90000047  }
0x30: {  	s0 =	sadd.s32 @!p0 $0x100000, s1;
	[bflag:$0x2] =	sbarrier.arrive $0xFFFF  }
0x31: {  	[sflag:s0] =	ssyncadd.tile.s32 @!p0 $0x1;
	_ =	shalt  }
.Lfunc_end2:
_tile_overlayer_lowered:
.L_overlay_start_2:
0x32: {  	(tag) =	ssettag $0x2  }
0x33: {  	s0 =	rddreg [dreg:$0x0];
	s2 =	stileid.u32  }
0x34: {  	s1 =	rddreg [dreg:$0x1];
	p0 =	sne.s32 s2, $0x0  }
0x35: {  	s3 =	rddreg [dreg:$0x2];
	[bflag:$0x3] =	sbarrier.arrive $0xFFFF;
	s2 =	simm.s32 @!p0 $0x1C01  }
0x36: {  	[timem:s3], [sflag:s2] =	dma.local @!p0 [hbm:s0], s1  }
0x37: {  	s0 =	simm.s32 @!p0 $0x1  }
0x38: {  	_ =	swait.ge @!p0 [sflag:s0], s1  }
0x39: {  	s1 =	ssub.s32 @!p0 $0x0, s1;
	[sflag:s0] =	ssyncset.done @!p0 $0x0  }
0x3a: {  	[sflag:s0] =	ssyncadd.s32 @!p0 s1  }
0x3b: {  	[bflag:$0x3] =	sbarrier.arrive $0xFFFF  }
0x3c: {  	_ =	shalt  }

// kernel: kernel.13.cloned.1.call-start
scs
__scs_entry_jumppad:
0x0: {  	(pc) =	sbr.rel $0x88, $3  }
0x1: {  	(tag) =	ssettag $0x0;
	lr =	simm.s32 $0x1  }
0x2: {  	[smem:$0x3F93] =	sst lr;
	_ =	strace $0xD0000000  }
0x3: {  	_ = 	snop  }
0x4: {  	_ = 	snop  }
0x5: {  	_ = 	snop  }
0x6: {  	_ = 	snop  }
0x7: {  	_ = 	snop  }
__scs_overlays_trampoline_lowered:
0x8: {  	[smem:$0x3FA2] =	sst s0  }
0x9: {  	[smem:$0x3FA3] =	sst s1  }
0xa: {  	[smem:$0x3FA4] =	sst s2  }
0xb: {  	[smem:$0x3FA5] =	sst s3  }
0xc: {  	[smem:$0x3FA6] =	sst s4  }
0xd: {  	[smem:$0x3FA7] =	sst s5  }
0xe: {  	[smem:$0x3FA8] =	sst s6  }
0xf: {  	[smem:$0x3FA9] =	sst s7  }
0x10: {  	[smem:$0x3FAA] =	sst s8  }
0x11: {  	[smem:$0x3FAB] =	sst s9;
	s0 =	simm.s32 @!p0 $0x0  }
0x12: {  	s1 =	sld [smem:$0x3F91];
	s0 =	simm.s32 @p0 $0x1  }
0x13: {  	[smem:$0x3FAC] =	sst s0;
	s0 =	simm.s32 @!p1 $0x0  }
0x14: {  	s2 =	sld [smem:$0x3F90];
	s0 =	simm.s32 @p1 $0x1  }
0x15: {  	[smem:$0x3FAD] =	sst s0;
	s0 =	simm.s32 @!p2 $0x0  }
0x16: {  	s3 =	sld [smem:$0x3FDB];
	s0 =	simm.s32 @p2 $0x1  }
0x17: {  	s4 =	simm.s32 $0x1BF5;
	[smem:$0x3FAF] =	sst s0  }
0x18: {  	s0 =	sld [smem:$0x3F92];
	_ =	swait.ge [sflag:s4], $0x0  }
0x19: {  	s7 =	sld [smem:$0x3F93]  }
0x1a: {  	s8 =	sadd.s32 $0xFFFFE003, lr  }
0x1b: {  	s9 =	sadd.s32 $0xFFFFFEF7, lr;
	s5 =	simm.s32 $0xFFFFFFFF;
	p2 =	slt.u32 s8, $0xFFFFF086  }
0x1c: {  	p1 =	slt.u32 s9, $0xF7A;
	s5 =	simm.s32 @!p2 $0x0  }
0x1d: {  	s5 =	simm.s32 @p1 $0x1;
	p0 =	seq.s32 s7, s2  }
0x1e: {  	s7 =	smul.u32 @!p0 $0xF7A, s2;
	p2 =	seq.s32 @!p0 s5, $0x0  }
0x1f: {  	s9 =	smul.u32 $0xF7A, s1;
	s8 =	simm.s32 @!p0 $0x1BF5;
	p2 =	por !p2, p0  }
0x20: {  	[sflag:s8] =	ssyncset.s32 @!p0 $0xFFFFF086;
	s6 =	sadd.s32 @!p0 s3, s7;
	s7 =	simm.s32 @!p0 $0x108  }
0x21: {  	s3 =	sadd.s32 s3, s9;
	s6 =	sadd.s32 @!p0 $0x88, s6;
	s7 =	simm.s32 @p2 $0x1082  }
0x22: {  	[simem:s7], [sflag:s8] =	dma.local @!p0 [hbm:s6], $0xF7A  }
0x23: {  	s9 =	sor.u32 $0xD0000000, s2;
	s6 =	simm.s32 $0x108;
	_ =	swait.ge @!p0 [sflag:s8], $0x0  }
0x24: {  	s3 =	sadd.s32 $0x88, s3;
	s6 =	simm.s32 @!p1 $0x1082;
	[sflag:s4] =	ssyncset.s32 $0xFFFFF086  }
0x25: {  	[simem:s6], [sflag:s4] =	dma.local [hbm:s3], $0xF7A  }
0x26: {  	[smem:$0x3F93] =	sst s1;
	(tag) =	ssettag s2;
	_ =	strace s9  }
0x27: {  	s1 =	sld [smem:$0x3FA3]  }
0x28: {  	s2 =	sld [smem:$0x3FA4]  }
0x29: {  	s4 =	sld [smem:$0x3FA6]  }
0x2a: {  	p0 =	seq.s32 s5, $0x0;
	s5 =	sld [smem:$0x3FA7]  }
0x2b: {  	s6 =	sld [smem:$0x3FA8]  }
0x2c: {  	s7 =	sld [smem:$0x3FA9]  }
0x2d: {  	s3 =	simm.s32 $0x108;
	s8 =	sld [smem:$0x3FAA]  }
0x2e: {  	s3 =	simm.s32 @!p0 $0x1082;
	s9 =	sld [smem:$0x3FAB]  }
0x2f: {  	lr =	sadd.s32 s0, s3;
	s0 =	sld [smem:$0x3FA2]  }
0x30: {  	s3 =	sld [smem:$0x3FA5]  }
0x31: {  	[smem:$0x3FAE] =	sst s10  }
0x32: {  	s10 =	sld [smem:$0x3FAC];
	_ =	sdelay $0x3  }
0x33: {  	p0 =	seq.s32 s10, $0x1;
	s10 =	sld [smem:$0x3FAE];
	_ =	sdelay $0x3  }
0x34: {  	[smem:$0x3FAE] =	sst s10  }
0x35: {  	s10 =	sld [smem:$0x3FAD];
	_ =	sdelay $0x3  }
0x36: {  	p1 =	seq.s32 s10, $0x1;
	s10 =	sld [smem:$0x3FAE];
	_ =	sdelay $0x3  }
0x37: {  	[smem:$0x3FAE] =	sst s10  }
0x38: {  	s10 =	sld [smem:$0x3FAF]  }
0x39: {  	_ = 	snop;
	(pc) =	sbr.ind lr, $3  }
0x3a: {  	_ = 	snop  }
0x3b: {  	_ = 	snop  }
0x3c: {  	p2 =	seq.s32 s10, $0x1;
	s10 =	sld [smem:$0x3FAE]  }
0x3d: {  	_ =	shalt  }
0x3e: {  	_ =	shalt  }
0x3f: {  	_ =	shalt  }
0x40: {  	_ =	shalt  }
0x41: {  	_ =	shalt  }
0x42: {  	_ =	shalt  }
0x43: {  	_ =	shalt  }
0x44: {  	_ =	shalt  }
0x45: {  	_ =	shalt  }
0x46: {  	_ =	shalt  }
0x47: {  	_ =	shalt  }
0x48: {  	_ =	shalt  }
0x49: {  	_ =	shalt  }
0x4a: {  	_ =	shalt  }
0x4b: {  	_ =	shalt  }
0x4c: {  	_ =	shalt  }
0x4d: {  	_ =	shalt  }
0x4e: {  	_ =	shalt  }
0x4f: {  	_ =	shalt  }
0x50: {  	_ =	shalt  }
0x51: {  	_ =	shalt  }
0x52: {  	_ =	shalt  }
0x53: {  	_ =	shalt  }
0x54: {  	_ =	shalt  }
0x55: {  	_ =	shalt  }
0x56: {  	_ =	shalt  }
0x57: {  	_ =	shalt  }
0x58: {  	_ =	shalt  }
0x59: {  	_ =	shalt  }
0x5a: {  	_ =	shalt  }
0x5b: {  	_ =	shalt  }
0x5c: {  	_ =	shalt  }
0x5d: {  	_ =	shalt  }
0x5e: {  	_ =	shalt  }
0x5f: {  	_ =	shalt  }
0x60: {  	_ =	shalt  }
0x61: {  	_ =	shalt  }
0x62: {  	_ =	shalt  }
0x63: {  	_ =	shalt  }
0x64: {  	_ =	shalt  }
0x65: {  	_ =	shalt  }
0x66: {  	_ =	shalt  }
0x67: {  	_ =	shalt  }
0x68: {  	_ =	shalt  }
0x69: {  	_ =	shalt  }
0x6a: {  	_ =	shalt  }
0x6b: {  	_ =	shalt  }
0x6c: {  	_ =	shalt  }
0x6d: {  	_ =	shalt  }
0x6e: {  	_ =	shalt  }
0x6f: {  	_ =	shalt  }
0x70: {  	_ =	shalt  }
0x71: {  	_ =	shalt  }
0x72: {  	_ =	shalt  }
0x73: {  	_ =	shalt  }
0x74: {  	_ =	shalt  }
0x75: {  	_ =	shalt  }
0x76: {  	_ =	shalt  }
0x77: {  	_ =	shalt  }
0x78: {  	_ =	shalt  }
0x79: {  	_ =	shalt  }
0x7a: {  	_ =	shalt  }
0x7b: {  	_ =	shalt  }
0x7c: {  	_ =	shalt  }
0x7d: {  	_ =	shalt  }
0x7e: {  	_ =	shalt  }
0x7f: {  	_ =	shalt  }
0x80: {  	_ =	shalt  }
0x81: {  	_ =	shalt  }
0x82: {  	_ =	shalt  }
0x83: {  	_ =	shalt  }
0x84: {  	_ =	shalt  }
0x85: {  	_ =	shalt  }
0x86: {  	_ =	shalt  }
0x87: {  	_ =	shalt  }
.Lfunc_end0:
.L_simem_size_0:
called_computation.1_lowered:
.L_overlay_start_0:
0x88: {  	s2 =	sld [smem:$0x3FD9]  }
0x89: {  	s3 =	sld [smem:$0x3FFE];
	_ =	sdelay $0x1  }
0x8a: {  	s1 =	srdreg.scid  }
0x8b: {  	s0 =	sand.u32 $0x1, s1  }
0x8c: {  	s17 =	sshll.u32 s0, $0xA;
	s2 =	sadd.s32 s3, s2  }
0x8d: {  	s2 =	sadd.s32 s2, s17  }
0x8e: {  	[smem:$0x3FBA] =	sst s2  }
0x8f: {  	_ = 	snop  }
0x90: {  	s2 =	sld [smem:$0x3FD0];
	(tm) =	ssettm $0x1  }
0x91: {  	s18 =	sld [smem:$0x3FFB];
	_ =	sdelay $0x3  }
0x92: {  	_ =	strace s18  }
0x93: {  	s3 =	sld [smem:$0x3FFC];
	_ =	sdelay $0x3  }
0x94: {  	_ =	strace s3  }
0x95: {  	s3 =	sld [smem:$0x3FFD];
	_ =	sdelay $0x3  }
0x96: {  	_ =	strace s3  }
0x97: {  	_ =	strace $0x8FFFFFFF  }
0x98: {  	s19 =	sld [smem:$0x3FDB];
	_ =	sdelay $0x1  }
0x99: {  	s4 =	simm.s32 $_scs_section_size  }
0x9a: {  	s5 =	simm.s32 $_size__tile_overlayer_lowered;
	s6 =	simm.s32 $_tile_overlayer_lowered  }
0x9b: {  	s22 =	simm.s32 $0x1BFF;
	s21 =	sshll.u32 s6, $0x1;
	s3 =	sadd.s32 s4, s19  }
0x9c: {  	s7 =	simm.s32 $0x0;
	s20 =	sshll.u32 s5, $0x1;
	s5 =	sadd.s32 s21, s3  }
0x9d: {  	[timem:s7], [sflag:s22] =	dma.local [hbm:s5], s20  }
0x9e: {  	_ =	swait.ge [sflag:s22], s20  }
0x9f: {  	s4 =	ssub.s32 $0x0, s20;
	[sflag:s22] =	ssyncset.done $0x0  }
0xa0: {  	[sflag:s22] =	ssyncadd.s32 s4;
	_ =	sdelay $0x1  }
0xa1: {  	s23 =	simm.s32 $0x1B8B  }
0xa2: {  	_ =	swait.ge [sflag:s23], $0x1  }
0xa3: {  	[sflag:s23] =	ssyncset.done $0x0  }
0xa4: {  	s25 =	simm.s32 $0x1B8E;
	s24 =	sld [smem:$0x3FFE];
	[sflag:s23] =	ssyncadd.s32 $0xFFFFFFFF  }
0xa5: {  	s26 =	simm.s32 $execute0_lowered;
	[smem:$0x3FD2] =	sst s25  }
0xa6: {  	s5 =	sshll.u32 s26, $0x1;
	_ =	strace $0x80000049;
	[dreg:$0x1] =	wrdreg $0xFFFFFFFF  }
0xa7: {  	s28 =	simm.s32 $_size_execute0_lowered;
	s3 =	sadd.s32 s3, s5;
	[dreg:$0x0] =	wrdreg $0x0  }
0xa8: {  	s5 =	sshll.u32 s28, $0x1;
	[dreg:$0x2] =	wrdreg s3  }
0xa9: {  	[dreg:$0x3] =	wrdreg s5  }
0xaa: {  	[dreg:$0x4] =	wrdreg $0xC0  }
0xab: {  	_ =	task [dreg:s7], $0x5FFFF  }
0xac: {  	[dreg:$0x1] =	wrdreg $0xFFFFFFFF  }
0xad: {  	[dreg:$0x0] =	wrdreg $0x60  }
0xae: {  	[dreg:$0x2] =	wrdreg s2  }
0xaf: {  	[dreg:$0x3] =	wrdreg s24  }
0xb0: {  	[dreg:$0x4] =	wrdreg $0xA0000  }
0xb1: {  	[dreg:$0x5] =	wrdreg $0x9  }
0xb2: {  	_ =	task.clear_ibuf [dreg:s7], $0x6FFFF;
	_ =	strace $0x90000049  }
0xb3: {  	s29 =	simm.s32 $0x9;
	_ =	strace $0x8000004B  }
0xb4: {  	_ =	swait.ge [sflag:s29], $0x1  }
0xb5: {  	[sflag:s29] =	ssyncadd.s32 $0xFFFFFFFF  }
0xb6: {  	_ =	strace $0x9000004B  }
0xb7: {  	_ =	sfence  }
0xb8: {  	s30 =	sld [smem:$0x0];
	_ =	sdelay $0x2  }
0xb9: {  	s31 =	sshll.u32 s1, $0xD;
	s1 =	sshrl.u32 s1, $0x2  }
0xba: {  	s3 =	sand.u32 $0x4000, s31;
	s1 =	sadd.s32 s1, s30  }
0xbb: {  	s0 =	sor.u32 s3, s0;
	s1 =	sshll.u32 s1, $0x11  }
0xbc: {  	s0 =	sor.u32 s1, s0  }
0xbd: {  	s0 =	sadd.s32 $0x8F2B, s0  }
0xbe: {  	[sflag:s0] =	ssyncadd.remote.s32 $0x1  }
0xbf: {  	_ =	sfence.sel $0xFFFF  }
0xc0: {  	[dreg:$0x0] =	wrdreg $0xFFFFFFFF;
	(pc) =	sbr.abs _section_cstart, $3  }
0xc1: {  	[dreg:$0x1] =	wrdreg $0xFFFFFFFF  }
0xc2: {  	_ =	task.clear_ibuf [dreg:s7], $0x2FFFF;
	_ =	strace $0x9FFFFFFF  }
0xc3: {  	(tm) =	ssettm $0x7FFFFFFF  }
tec
execute0_lowered:
.L_overlay_start_1:
0x0: {  	(tag) =	ssettag $0x1  }
0x1: {  	s1 =	rddreg [dreg:$0x0]  }
0x2: {  	s6 =	rddreg [dreg:$0x1]  }
0x3: {  	s0 =	srdreg.scid;
	s3 =	rddreg [dreg:$0x2]  }
0x4: {  	s2 =	rddreg [dreg:$0x3];
	s5 =	sand.u32 $0x1, s0  }
0x5: {  	s4 =	simm.s32 $0x0;
	s0 =	stileid.u32;
	s7 =	smul.u32 $0x30000, s5  }
0x6: {  	s11 =	simm.s32 $0x3000;
	s14 =	simm.s32 $0x80;
	s8 =	smul.u32 $0x3000, s0  }
0x7: {  	s15 =	simm.s32 $0x6000;
	[smem:$0x7FF] =	sst s4;
	s9 =	smul.u32 $0x13C000, s5  }
0x8: {  	s16 =	simm.s32 $0x0;
	s29 =	smul.u32 $0x13C00, s0;
	_ =	strace $0x8000004A  }
0x9: {  	s30 =	ssub.s32 $0x2, s5;
	s10 =	smul.u32 $0x4F000, s0;
	s12 =	sshll.u32 s0, $0x6  }
0xa: {  	s5 =	sadd.s32 $0x1D400, s6;
	s31 =	sshrl.u32 s30, $0x1;
	s12 =	sor.u32 $0x1C01, s12  }
0xb: {  	s7 =	sadd.s32 s8, s7;
	s8 =	sadd.s32 s29, s9;
	s9 =	ssub.s32 s30, s31  }
0xc: {  	s10 =	sshrl.u32 s10, $0x2;
	s7 =	sshrl.u32 s7, $0x3;
	s8 =	sshrl.u32 s8, $0x3  }
0xd: {  	s13 =	sadd.s32 s10, s3;
	s9 =	smax.u32 s9, $0x1;
	s10 =	simm.s32 $0x1  }
0xe: {  	s7 =	sadd.s32 s7, s6;
	s8 =	sadd.s32 s8, s6;
	s13 =	sshrl.u32 s13, $0x3  }
0xf: {  	s6 =	sadd.s32 $0x11400, s7;
	s7 =	sadd.s32 $0x5400, s7;
	s8 =	sadd.s32 $0x1FC00, s8  }
.LBB2_1:
0x10: {  	[tilespmem:s4], [sflag:$0x1] =	stream.linear.gather [hbm4b:s6+s4], $0x3000, $0x38;
	[tilespmem:$0x1DC00] =	vst v63  }
0x11: {  	_ =	swait.ge [sflag:s10], $0x3000  }
0x12: {  	[sflag:s10] =	ssyncset.done $0x0  }
0x13: {  	[sflag:s10] =	ssyncadd.s32 $0xFFFFD000  }
0x14: {  	[tilespmem:s11], [sflag:$0x1] =	stream.linear.gather [hbm4b:s7+s4], $0x3000, $0x38;
	[tilespmem:$0x1DC00] =	vst v63  }
0x15: {  	_ =	swait.ge [sflag:s10], $0x3000  }
0x16: {  	[sflag:s10] =	ssyncset.done $0x0  }
0x17: {  	[sflag:s10] =	ssyncadd.s32 $0xFFFFD000  }
0x18: {  	[spmem:s13], [sflag:s12] =	dma.local [hbm:s5], $0x2780  }
0x19: {  	_ =	swait.ge [sflag:s10], $0x2780  }
0x1a: {  	[sflag:s10] =	ssyncset.done $0x0  }
0x1b: {  	[sflag:s10] =	ssyncadd.s32 $0xFFFFD880  }
0x1c: {  	s17 =	simm.s32 $0x0;
	[bflag:$0x0] =	sbarrier.arrive $0xFFFF  }
0x1d: {  	[tilespmem:s15], [sflag:$0x1] =	stream.indirect.gather [hbm4b:s1+s14], $0x80, s17, s14, $0xb8;
	[tilespmem:$0x1DC00] =	vst v63  }
0x1e: {  	_ =	swait.ge [sflag:s10], $0x4000  }
0x1f: {  	[sflag:s10] =	ssyncset.done $0x0  }
0x20: {  	s31 =	simm.s32 $0x3000;
	[sflag:s10] =	ssyncadd.s32 $0xFFFFC000  }
0x21: {  	[spmem:s3] =	stream.indirect.scatter.add.f32 [tilespmem:s15], [sflag:$0x1], $0x80, s31, s14, $0xb8;
	[tilespmem:$0x1DC00] =	vst v63  }
0x22: {  	_ =	swait.ge [sflag:s10], $0x4000  }
0x23: {  	s18 =	simm.s32 $0x400;
	s17 =	simm.s32 $0x200;
	[sflag:s10] =	ssyncset.done $0x0  }
.LBB2_2:
0x24: {  	s19 =	sshra.s32 s17, $0x2  }
0x25: {  	[sflag:s10] =	ssyncadd.s32 $0xFFFFC000;
	s17 =	smov.u32 s18;
	s20 =	sadd.s32 $0x200, s18  }
0x26: {  	[tilespmem:s15], [sflag:$0x1] =	stream.indirect.gather [hbm4b:s1+s14], $0x80, s19, s14, $0xb8;
	[tilespmem:$0x1DC00] =	vst v63  }
0x27: {  	p0 =	sne.s32 s18, $0xBE00;
	_ =	swait.ge [sflag:s10], $0x4000  }
.Ltmp0:
0x28: {  	[sflag:s10] =	ssyncset.done $0x0;
	(pc) =	sbr.rel @p0 .LBB2_2-.Ltmp0, $4  }
0x29: {  	s18 =	sadd.s32 $0x3000, s19;
	[sflag:s10] =	ssyncadd.s32 $0xFFFFC000  }
0x2a: {  	[spmem:s3] =	stream.indirect.scatter.add.f32 [tilespmem:s15], [sflag:$0x1], $0x80, s18, s14, $0xb8;
	[tilespmem:$0x1DC00] =	vst v63  }
0x2b: {  	_ =	swait.ge [sflag:s10], $0x4000  }
0x2c: {  	s18 =	smov.u32 s20;
	[sflag:s10] =	ssyncset.done $0x0  }
0x2d: {  	s17 =	sshra.s32 s17, $0x2;
	[sflag:s10] =	ssyncadd.s32 $0xFFFFC000  }
0x2e: {  	[tilespmem:s15], [sflag:$0x1] =	stream.indirect.gather [hbm4b:s1+s14], $0x80, s17, s14, $0xb8;
	[tilespmem:$0x1DC00] =	vst v63  }
0x2f: {  	_ =	swait.ge [sflag:s10], $0x4000  }
0x30: {  	[sflag:s10] =	ssyncset.done $0x0  }
0x31: {  	s17 =	sadd.s32 $0x3000, s17;
	[sflag:s10] =	ssyncadd.s32 $0xFFFFC000  }
0x32: {  	[spmem:s3] =	stream.indirect.scatter.add.f32 [tilespmem:s15], [sflag:$0x1], $0x80, s17, s14, $0xb8;
	[tilespmem:$0x1DC00] =	vst v63  }
0x33: {  	_ =	swait.ge [sflag:s10], $0x4000  }
0x34: {  	s16 =	sadd.s32 $0x1, s16;
	[sflag:s10] =	ssyncset.done $0x0  }
0x35: {  	p0 =	sne.s32 s16, s9;
	[sflag:s10] =	ssyncadd.s32 $0xFFFFC000  }
.Ltmp1:
0x36: {  	[bflag:$0x0] =	sbarrier.arrive $0xFFFF;
	(pc) =	sbr.rel @p0 .LBB2_1-.Ltmp1, $4  }
0x37: {  	[hbm:s8], [sflag:s12] =	dma.local [spmem:s13], $0x2780  }
0x38: {  	_ =	swait.ge [sflag:s10], $0x2780  }
0x39: {  	[sflag:s10] =	ssyncset.done $0x0  }
0x3a: {  	[sflag:s10] =	ssyncadd.s32 $0xFFFFD880  }
0x3b: {  	_ =	sfence.sel $0x180000  }
0x3c: {  	[bflag:$0x0] =	sbarrier.arrive $0xFFFF  }
0x3d: {  	p0 =	sne.s32 s0, $0x0;
	_ =	strace $0x9000004A  }
0x3e: {  	s0 =	sadd.s32 @!p0 $0x100000, s2;
	[bflag:$0x2] =	sbarrier.arrive $0xFFFF  }
0x3f: {  	[sflag:s0] =	ssyncadd.tile.s32 @!p0 $0x1;
	_ =	shalt  }
.Lfunc_end2:
_tile_overlayer_lowered:
.L_overlay_start_2:
0x40: {  	(tag) =	ssettag $0x2  }
0x41: {  	s0 =	rddreg [dreg:$0x0];
	s2 =	stileid.u32  }
0x42: {  	s1 =	rddreg [dreg:$0x1];
	p0 =	sne.s32 s2, $0x0  }
0x43: {  	s3 =	rddreg [dreg:$0x2];
	[bflag:$0x3] =	sbarrier.arrive $0xFFFF;
	s2 =	simm.s32 @!p0 $0x1C01  }
0x44: {  	[timem:s3], [sflag:s2] =	dma.local @!p0 [hbm:s0], s1  }
0x45: {  	s0 =	simm.s32 @!p0 $0x1  }
0x46: {  	_ =	swait.ge @!p0 [sflag:s0], s1  }
0x47: {  	s1 =	ssub.s32 @!p0 $0x0, s1;
	[sflag:s0] =	ssyncset.done @!p0 $0x0  }
0x48: {  	[sflag:s0] =	ssyncadd.s32 @!p0 s1  }
0x49: {  	[bflag:$0x3] =	sbarrier.arrive $0xFFFF  }
0x4a: {  	_ =	shalt  }

// kernel: kernel.16.cloned.1.call-start
scs
__scs_entry_jumppad:
0x0: {  	(pc) =	sbr.rel $0x88, $3  }
0x1: {  	(tag) =	ssettag $0x0;
	lr =	simm.s32 $0x1  }
0x2: {  	[smem:$0x3F93] =	sst lr;
	_ =	strace $0xD0000000  }
0x3: {  	_ = 	snop  }
0x4: {  	_ = 	snop  }
0x5: {  	_ = 	snop  }
0x6: {  	_ = 	snop  }
0x7: {  	_ = 	snop  }
__scs_overlays_trampoline_lowered:
0x8: {  	[smem:$0x3FA2] =	sst s0  }
0x9: {  	[smem:$0x3FA3] =	sst s1  }
0xa: {  	[smem:$0x3FA4] =	sst s2  }
0xb: {  	[smem:$0x3FA5] =	sst s3  }
0xc: {  	[smem:$0x3FA6] =	sst s4  }
0xd: {  	[smem:$0x3FA7] =	sst s5  }
0xe: {  	[smem:$0x3FA8] =	sst s6  }
0xf: {  	[smem:$0x3FA9] =	sst s7  }
0x10: {  	[smem:$0x3FAA] =	sst s8  }
0x11: {  	[smem:$0x3FAB] =	sst s9;
	s0 =	simm.s32 @!p0 $0x0  }
0x12: {  	s1 =	sld [smem:$0x3F91];
	s0 =	simm.s32 @p0 $0x1  }
0x13: {  	[smem:$0x3FAC] =	sst s0;
	s0 =	simm.s32 @!p1 $0x0  }
0x14: {  	s2 =	sld [smem:$0x3F90];
	s0 =	simm.s32 @p1 $0x1  }
0x15: {  	[smem:$0x3FAD] =	sst s0;
	s0 =	simm.s32 @!p2 $0x0  }
0x16: {  	s3 =	sld [smem:$0x3FDB];
	s0 =	simm.s32 @p2 $0x1  }
0x17: {  	s4 =	simm.s32 $0x1BF5;
	[smem:$0x3FAF] =	sst s0  }
0x18: {  	s0 =	sld [smem:$0x3F92];
	_ =	swait.ge [sflag:s4], $0x0  }
0x19: {  	s7 =	sld [smem:$0x3F93]  }
0x1a: {  	s8 =	sadd.s32 $0xFFFFE003, lr  }
0x1b: {  	s9 =	sadd.s32 $0xFFFFFEF7, lr;
	s5 =	simm.s32 $0xFFFFFFFF;
	p2 =	slt.u32 s8, $0xFFFFF086  }
0x1c: {  	p1 =	slt.u32 s9, $0xF7A;
	s5 =	simm.s32 @!p2 $0x0  }
0x1d: {  	s5 =	simm.s32 @p1 $0x1;
	p0 =	seq.s32 s7, s2  }
0x1e: {  	s7 =	smul.u32 @!p0 $0xF7A, s2;
	p2 =	seq.s32 @!p0 s5, $0x0  }
0x1f: {  	s9 =	smul.u32 $0xF7A, s1;
	s8 =	simm.s32 @!p0 $0x1BF5;
	p2 =	por !p2, p0  }
0x20: {  	[sflag:s8] =	ssyncset.s32 @!p0 $0xFFFFF086;
	s6 =	sadd.s32 @!p0 s3, s7;
	s7 =	simm.s32 @!p0 $0x108  }
0x21: {  	s3 =	sadd.s32 s3, s9;
	s6 =	sadd.s32 @!p0 $0x88, s6;
	s7 =	simm.s32 @p2 $0x1082  }
0x22: {  	[simem:s7], [sflag:s8] =	dma.local @!p0 [hbm:s6], $0xF7A  }
0x23: {  	s9 =	sor.u32 $0xD0000000, s2;
	s6 =	simm.s32 $0x108;
	_ =	swait.ge @!p0 [sflag:s8], $0x0  }
0x24: {  	s3 =	sadd.s32 $0x88, s3;
	s6 =	simm.s32 @!p1 $0x1082;
	[sflag:s4] =	ssyncset.s32 $0xFFFFF086  }
0x25: {  	[simem:s6], [sflag:s4] =	dma.local [hbm:s3], $0xF7A  }
0x26: {  	[smem:$0x3F93] =	sst s1;
	(tag) =	ssettag s2;
	_ =	strace s9  }
0x27: {  	s1 =	sld [smem:$0x3FA3]  }
0x28: {  	s2 =	sld [smem:$0x3FA4]  }
0x29: {  	s4 =	sld [smem:$0x3FA6]  }
0x2a: {  	p0 =	seq.s32 s5, $0x0;
	s5 =	sld [smem:$0x3FA7]  }
0x2b: {  	s6 =	sld [smem:$0x3FA8]  }
0x2c: {  	s7 =	sld [smem:$0x3FA9]  }
0x2d: {  	s3 =	simm.s32 $0x108;
	s8 =	sld [smem:$0x3FAA]  }
0x2e: {  	s3 =	simm.s32 @!p0 $0x1082;
	s9 =	sld [smem:$0x3FAB]  }
0x2f: {  	lr =	sadd.s32 s0, s3;
	s0 =	sld [smem:$0x3FA2]  }
0x30: {  	s3 =	sld [smem:$0x3FA5]  }
0x31: {  	[smem:$0x3FAE] =	sst s10  }
0x32: {  	s10 =	sld [smem:$0x3FAC];
	_ =	sdelay $0x3  }
0x33: {  	p0 =	seq.s32 s10, $0x1;
	s10 =	sld [smem:$0x3FAE];
	_ =	sdelay $0x3  }
0x34: {  	[smem:$0x3FAE] =	sst s10  }
0x35: {  	s10 =	sld [smem:$0x3FAD];
	_ =	sdelay $0x3  }
0x36: {  	p1 =	seq.s32 s10, $0x1;
	s10 =	sld [smem:$0x3FAE];
	_ =	sdelay $0x3  }
0x37: {  	[smem:$0x3FAE] =	sst s10  }
0x38: {  	s10 =	sld [smem:$0x3FAF]  }
0x39: {  	_ = 	snop;
	(pc) =	sbr.ind lr, $3  }
0x3a: {  	_ = 	snop  }
0x3b: {  	_ = 	snop  }
0x3c: {  	p2 =	seq.s32 s10, $0x1;
	s10 =	sld [smem:$0x3FAE]  }
0x3d: {  	_ =	shalt  }
0x3e: {  	_ =	shalt  }
0x3f: {  	_ =	shalt  }
0x40: {  	_ =	shalt  }
0x41: {  	_ =	shalt  }
0x42: {  	_ =	shalt  }
0x43: {  	_ =	shalt  }
0x44: {  	_ =	shalt  }
0x45: {  	_ =	shalt  }
0x46: {  	_ =	shalt  }
0x47: {  	_ =	shalt  }
0x48: {  	_ =	shalt  }
0x49: {  	_ =	shalt  }
0x4a: {  	_ =	shalt  }
0x4b: {  	_ =	shalt  }
0x4c: {  	_ =	shalt  }
0x4d: {  	_ =	shalt  }
0x4e: {  	_ =	shalt  }
0x4f: {  	_ =	shalt  }
0x50: {  	_ =	shalt  }
0x51: {  	_ =	shalt  }
0x52: {  	_ =	shalt  }
0x53: {  	_ =	shalt  }
0x54: {  	_ =	shalt  }
0x55: {  	_ =	shalt  }
0x56: {  	_ =	shalt  }
0x57: {  	_ =	shalt  }
0x58: {  	_ =	shalt  }
0x59: {  	_ =	shalt  }
0x5a: {  	_ =	shalt  }
0x5b: {  	_ =	shalt  }
0x5c: {  	_ =	shalt  }
0x5d: {  	_ =	shalt  }
0x5e: {  	_ =	shalt  }
0x5f: {  	_ =	shalt  }
0x60: {  	_ =	shalt  }
0x61: {  	_ =	shalt  }
0x62: {  	_ =	shalt  }
0x63: {  	_ =	shalt  }
0x64: {  	_ =	shalt  }
0x65: {  	_ =	shalt  }
0x66: {  	_ =	shalt  }
0x67: {  	_ =	shalt  }
0x68: {  	_ =	shalt  }
0x69: {  	_ =	shalt  }
0x6a: {  	_ =	shalt  }
0x6b: {  	_ =	shalt  }
0x6c: {  	_ =	shalt  }
0x6d: {  	_ =	shalt  }
0x6e: {  	_ =	shalt  }
0x6f: {  	_ =	shalt  }
0x70: {  	_ =	shalt  }
0x71: {  	_ =	shalt  }
0x72: {  	_ =	shalt  }
0x73: {  	_ =	shalt  }
0x74: {  	_ =	shalt  }
0x75: {  	_ =	shalt  }
0x76: {  	_ =	shalt  }
0x77: {  	_ =	shalt  }
0x78: {  	_ =	shalt  }
0x79: {  	_ =	shalt  }
0x7a: {  	_ =	shalt  }
0x7b: {  	_ =	shalt  }
0x7c: {  	_ =	shalt  }
0x7d: {  	_ =	shalt  }
0x7e: {  	_ =	shalt  }
0x7f: {  	_ =	shalt  }
0x80: {  	_ =	shalt  }
0x81: {  	_ =	shalt  }
0x82: {  	_ =	shalt  }
0x83: {  	_ =	shalt  }
0x84: {  	_ =	shalt  }
0x85: {  	_ =	shalt  }
0x86: {  	_ =	shalt  }
0x87: {  	_ =	shalt  }
.Lfunc_end0:
.L_simem_size_0:
called_computation.2_lowered:
.L_overlay_start_0:
0x88: {  	s2 =	sld [smem:$0x3FD9]  }
0x89: {  	s3 =	sld [smem:$0x3FFE];
	_ =	sdelay $0x1  }
0x8a: {  	s1 =	srdreg.scid  }
0x8b: {  	s0 =	sand.u32 $0x1, s1  }
0x8c: {  	s17 =	sshll.u32 s0, $0xA;
	s2 =	sadd.s32 s3, s2  }
0x8d: {  	s2 =	sadd.s32 s2, s17  }
0x8e: {  	[smem:$0x3FBA] =	sst s2  }
0x8f: {  	_ = 	snop  }
0x90: {  	s2 =	sld [smem:$0x3FD0];
	(tm) =	ssettm $0x1  }
0x91: {  	s18 =	sld [smem:$0x3FFB];
	_ =	sdelay $0x3  }
0x92: {  	_ =	strace s18  }
0x93: {  	s3 =	sld [smem:$0x3FFC];
	_ =	sdelay $0x3  }
0x94: {  	_ =	strace s3  }
0x95: {  	s3 =	sld [smem:$0x3FFD];
	_ =	sdelay $0x3  }
0x96: {  	_ =	strace s3  }
0x97: {  	_ =	strace $0x8FFFFFFF  }
0x98: {  	s19 =	sld [smem:$0x3FDB];
	_ =	sdelay $0x1  }
0x99: {  	s4 =	simm.s32 $_scs_section_size  }
0x9a: {  	s5 =	simm.s32 $_size__tile_overlayer_lowered;
	s6 =	simm.s32 $_tile_overlayer_lowered  }
0x9b: {  	s22 =	simm.s32 $0x1BFF;
	s21 =	sshll.u32 s6, $0x1;
	s3 =	sadd.s32 s4, s19  }
0x9c: {  	s7 =	simm.s32 $0x0;
	s20 =	sshll.u32 s5, $0x1;
	s5 =	sadd.s32 s21, s3  }
0x9d: {  	[timem:s7], [sflag:s22] =	dma.local [hbm:s5], s20  }
0x9e: {  	_ =	swait.ge [sflag:s22], s20  }
0x9f: {  	s4 =	ssub.s32 $0x0, s20;
	[sflag:s22] =	ssyncset.done $0x0  }
0xa0: {  	[sflag:s22] =	ssyncadd.s32 s4;
	_ =	sdelay $0x1  }
0xa1: {  	s23 =	simm.s32 $0x1B8B  }
0xa2: {  	_ =	swait.ge [sflag:s23], $0x1  }
0xa3: {  	[sflag:s23] =	ssyncset.done $0x0  }
0xa4: {  	s25 =	simm.s32 $0x1B8E;
	s24 =	sld [smem:$0x3FFE];
	[sflag:s23] =	ssyncadd.s32 $0xFFFFFFFF  }
0xa5: {  	s26 =	simm.s32 $execute0_lowered;
	[smem:$0x3FD2] =	sst s25  }
0xa6: {  	s5 =	sshll.u32 s26, $0x1;
	_ =	strace $0x8000004C;
	[dreg:$0x1] =	wrdreg $0xFFFFFFFF  }
0xa7: {  	s28 =	simm.s32 $_size_execute0_lowered;
	s3 =	sadd.s32 s3, s5;
	[dreg:$0x0] =	wrdreg $0x0  }
0xa8: {  	s5 =	sshll.u32 s28, $0x1;
	[dreg:$0x2] =	wrdreg s3  }
0xa9: {  	[dreg:$0x3] =	wrdreg s5  }
0xaa: {  	[dreg:$0x4] =	wrdreg $0xC0  }
0xab: {  	_ =	task [dreg:s7], $0x5FFFF  }
0xac: {  	[dreg:$0x1] =	wrdreg $0xFFFFFFFF  }
0xad: {  	[dreg:$0x0] =	wrdreg $0x60  }
0xae: {  	[dreg:$0x2] =	wrdreg s2  }
0xaf: {  	[dreg:$0x3] =	wrdreg s24  }
0xb0: {  	[dreg:$0x4] =	wrdreg $0xA0000  }
0xb1: {  	[dreg:$0x5] =	wrdreg $0x9  }
0xb2: {  	_ =	task.clear_ibuf [dreg:s7], $0x6FFFF;
	_ =	strace $0x9000004C  }
0xb3: {  	s29 =	simm.s32 $0x9;
	_ =	strace $0x8000004E  }
0xb4: {  	_ =	swait.ge [sflag:s29], $0x1  }
0xb5: {  	[sflag:s29] =	ssyncadd.s32 $0xFFFFFFFF  }
0xb6: {  	_ =	strace $0x9000004E  }
0xb7: {  	_ =	sfence  }
0xb8: {  	s30 =	sld [smem:$0x0];
	_ =	sdelay $0x2  }
0xb9: {  	s31 =	sshll.u32 s1, $0xD;
	s1 =	sshrl.u32 s1, $0x2  }
0xba: {  	s3 =	sand.u32 $0x4000, s31;
	s1 =	sadd.s32 s1, s30  }
0xbb: {  	s0 =	sor.u32 s3, s0;
	s1 =	sshll.u32 s1, $0x11  }
0xbc: {  	s0 =	sor.u32 s1, s0  }
0xbd: {  	s0 =	sadd.s32 $0x8F2B, s0  }
0xbe: {  	[sflag:s0] =	ssyncadd.remote.s32 $0x1  }
0xbf: {  	_ =	sfence.sel $0xFFFF  }
0xc0: {  	[dreg:$0x0] =	wrdreg $0xFFFFFFFF;
	(pc) =	sbr.abs _section_cstart, $3  }
0xc1: {  	[dreg:$0x1] =	wrdreg $0xFFFFFFFF  }
0xc2: {  	_ =	task.clear_ibuf [dreg:s7], $0x2FFFF;
	_ =	strace $0x9FFFFFFF  }
0xc3: {  	(tm) =	ssettm $0x7FFFFFFF  }
tec
execute0_lowered:
.L_overlay_start_1:
0x0: {  	(tag) =	ssettag $0x1  }
0x1: {  	s1 =	rddreg [dreg:$0x0]  }
0x2: {  	s6 =	rddreg [dreg:$0x1]  }
0x3: {  	s0 =	srdreg.scid;
	s3 =	rddreg [dreg:$0x2]  }
0x4: {  	s2 =	rddreg [dreg:$0x3];
	s5 =	sand.u32 $0x1, s0  }
0x5: {  	s4 =	simm.s32 $0x0;
	s0 =	stileid.u32;
	s7 =	smul.u32 $0x30000, s5  }
0x6: {  	s11 =	simm.s32 $0x3000;
	s14 =	simm.s32 $0x80;
	s8 =	smul.u32 $0x3000, s0  }
0x7: {  	s15 =	simm.s32 $0x6000;
	[smem:$0x7FF] =	sst s4;
	s9 =	smul.u32 $0x13C000, s5  }
0x8: {  	s16 =	simm.s32 $0x0;
	s29 =	smul.u32 $0x13C00, s0;
	_ =	strace $0x8000004D  }
0x9: {  	s30 =	ssub.s32 $0x2, s5;
	s10 =	smul.u32 $0x4F000, s0;
	s12 =	sshll.u32 s0, $0x6  }
0xa: {  	s5 =	sadd.s32 $0x1D400, s6;
	s31 =	sshrl.u32 s30, $0x1;
	s12 =	sor.u32 $0x1C01, s12  }
0xb: {  	s7 =	sadd.s32 s8, s7;
	s8 =	sadd.s32 s29, s9;
	s9 =	ssub.s32 s30, s31  }
0xc: {  	s10 =	sshrl.u32 s10, $0x2;
	s7 =	sshrl.u32 s7, $0x3;
	s8 =	sshrl.u32 s8, $0x3  }
0xd: {  	s13 =	sadd.s32 s10, s3;
	s9 =	smax.u32 s9, $0x1;
	s10 =	simm.s32 $0x1  }
0xe: {  	s7 =	sadd.s32 s7, s6;
	s8 =	sadd.s32 s8, s6;
	s13 =	sshrl.u32 s13, $0x3  }
0xf: {  	s6 =	sadd.s32 $0x11400, s7;
	s7 =	sadd.s32 $0x5400, s7;
	s8 =	sadd.s32 $0x46E00, s8  }
.LBB2_1:
0x10: {  	[tilespmem:s4], [sflag:$0x1] =	stream.linear.gather [hbm4b:s6+s4], $0x3000, $0x38;
	[tilespmem:$0x1DC00] =	vst v63  }
0x11: {  	_ =	swait.ge [sflag:s10], $0x3000  }
0x12: {  	[sflag:s10] =	ssyncset.done $0x0  }
0x13: {  	[sflag:s10] =	ssyncadd.s32 $0xFFFFD000  }
0x14: {  	[tilespmem:s11], [sflag:$0x1] =	stream.linear.gather [hbm4b:s7+s4], $0x3000, $0x38;
	[tilespmem:$0x1DC00] =	vst v63  }
0x15: {  	_ =	swait.ge [sflag:s10], $0x3000  }
0x16: {  	[sflag:s10] =	ssyncset.done $0x0  }
0x17: {  	[sflag:s10] =	ssyncadd.s32 $0xFFFFD000  }
0x18: {  	[spmem:s13], [sflag:s12] =	dma.local [hbm:s5], $0x2780  }
0x19: {  	_ =	swait.ge [sflag:s10], $0x2780  }
0x1a: {  	[sflag:s10] =	ssyncset.done $0x0  }
0x1b: {  	[sflag:s10] =	ssyncadd.s32 $0xFFFFD880  }
0x1c: {  	s17 =	simm.s32 $0x0;
	[bflag:$0x0] =	sbarrier.arrive $0xFFFF  }
0x1d: {  	[tilespmem:s15], [sflag:$0x1] =	stream.indirect.gather [hbm4b:s1+s14], $0x80, s17, s14, $0xb8;
	[tilespmem:$0x1DC00] =	vst v63  }
0x1e: {  	_ =	swait.ge [sflag:s10], $0x4000  }
0x1f: {  	[sflag:s10] =	ssyncset.done $0x0  }
0x20: {  	s31 =	simm.s32 $0x3000;
	[sflag:s10] =	ssyncadd.s32 $0xFFFFC000  }
0x21: {  	[spmem:s3] =	stream.indirect.scatter.add.f32 [tilespmem:s15], [sflag:$0x1], $0x80, s31, s14, $0xb8;
	[tilespmem:$0x1DC00] =	vst v63  }
0x22: {  	_ =	swait.ge [sflag:s10], $0x4000  }
0x23: {  	s18 =	simm.s32 $0x400;
	s17 =	simm.s32 $0x200;
	[sflag:s10] =	ssyncset.done $0x0  }
.LBB2_2:
0x24: {  	s19 =	sshra.s32 s17, $0x2  }
0x25: {  	[sflag:s10] =	ssyncadd.s32 $0xFFFFC000;
	s17 =	smov.u32 s18;
	s20 =	sadd.s32 $0x200, s18  }
0x26: {  	[tilespmem:s15], [sflag:$0x1] =	stream.indirect.gather [hbm4b:s1+s14], $0x80, s19, s14, $0xb8;
	[tilespmem:$0x1DC00] =	vst v63  }
0x27: {  	p0 =	sne.s32 s18, $0xBE00;
	_ =	swait.ge [sflag:s10], $0x4000  }
.Ltmp0:
0x28: {  	[sflag:s10] =	ssyncset.done $0x0;
	(pc) =	sbr.rel @p0 .LBB2_2-.Ltmp0, $4  }
0x29: {  	s18 =	sadd.s32 $0x3000, s19;
	[sflag:s10] =	ssyncadd.s32 $0xFFFFC000  }
0x2a: {  	[spmem:s3] =	stream.indirect.scatter.add.f32 [tilespmem:s15], [sflag:$0x1], $0x80, s18, s14, $0xb8;
	[tilespmem:$0x1DC00] =	vst v63  }
0x2b: {  	_ =	swait.ge [sflag:s10], $0x4000  }
0x2c: {  	s18 =	smov.u32 s20;
	[sflag:s10] =	ssyncset.done $0x0  }
0x2d: {  	s17 =	sshra.s32 s17, $0x2;
	[sflag:s10] =	ssyncadd.s32 $0xFFFFC000  }
0x2e: {  	[tilespmem:s15], [sflag:$0x1] =	stream.indirect.gather [hbm4b:s1+s14], $0x80, s17, s14, $0xb8;
	[tilespmem:$0x1DC00] =	vst v63  }
0x2f: {  	_ =	swait.ge [sflag:s10], $0x4000  }
0x30: {  	[sflag:s10] =	ssyncset.done $0x0  }
0x31: {  	s17 =	sadd.s32 $0x3000, s17;
	[sflag:s10] =	ssyncadd.s32 $0xFFFFC000  }
0x32: {  	[spmem:s3] =	stream.indirect.scatter.add.f32 [tilespmem:s15], [sflag:$0x1], $0x80, s17, s14, $0xb8;
	[tilespmem:$0x1DC00] =	vst v63  }
0x33: {  	_ =	swait.ge [sflag:s10], $0x4000  }
0x34: {  	s16 =	sadd.s32 $0x1, s16;
	[sflag:s10] =	ssyncset.done $0x0  }
0x35: {  	p0 =	sne.s32 s16, s9;
	[sflag:s10] =	ssyncadd.s32 $0xFFFFC000  }
.Ltmp1:
0x36: {  	[bflag:$0x0] =	sbarrier.arrive $0xFFFF;
	(pc) =	sbr.rel @p0 .LBB2_1-.Ltmp1, $4  }
0x37: {  	[hbm:s8], [sflag:s12] =	dma.local [spmem:s13], $0x2780  }
0x38: {  	_ =	swait.ge [sflag:s10], $0x2780  }
0x39: {  	[sflag:s10] =	ssyncset.done $0x0  }
0x3a: {  	[sflag:s10] =	ssyncadd.s32 $0xFFFFD880  }
0x3b: {  	_ =	sfence.sel $0x180000  }
0x3c: {  	[bflag:$0x0] =	sbarrier.arrive $0xFFFF  }
0x3d: {  	p0 =	sne.s32 s0, $0x0;
	_ =	strace $0x9000004D  }
0x3e: {  	s0 =	sadd.s32 @!p0 $0x100000, s2;
	[bflag:$0x2] =	sbarrier.arrive $0xFFFF  }
0x3f: {  	[sflag:s0] =	ssyncadd.tile.s32 @!p0 $0x1;
	_ =	shalt  }
.Lfunc_end2:
_tile_overlayer_lowered:
.L_overlay_start_2:
0x40: {  	(tag) =	ssettag $0x2  }
0x41: {  	s0 =	rddreg [dreg:$0x0];
	s2 =	stileid.u32  }
0x42: {  	s1 =	rddreg [dreg:$0x1];
	p0 =	sne.s32 s2, $0x0  }
0x43: {  	s3 =	rddreg [dreg:$0x2];
	[bflag:$0x3] =	sbarrier.arrive $0xFFFF;
	s2 =	simm.s32 @!p0 $0x1C01  }
0x44: {  	[timem:s3], [sflag:s2] =	dma.local @!p0 [hbm:s0], s1  }
0x45: {  	s0 =	simm.s32 @!p0 $0x1  }
0x46: {  	_ =	swait.ge @!p0 [sflag:s0], s1  }
0x47: {  	s1 =	ssub.s32 @!p0 $0x0, s1;
	[sflag:s0] =	ssyncset.done @!p0 $0x0  }
0x48: {  	[sflag:s0] =	ssyncadd.s32 @!p0 s1  }
0x49: {  	[bflag:$0x3] =	sbarrier.arrive $0xFFFF  }
0x4a: {  	_ =	shalt  }

// kernel: kernel.19.cloned.1.call-start
scs
__scs_entry_jumppad:
0x0: {  	(pc) =	sbr.rel $0x88, $3  }
0x1: {  	(tag) =	ssettag $0x0;
	lr =	simm.s32 $0x1  }
0x2: {  	[smem:$0x3F93] =	sst lr;
	_ =	strace $0xD0000000  }
0x3: {  	_ = 	snop  }
0x4: {  	_ = 	snop  }
0x5: {  	_ = 	snop  }
0x6: {  	_ = 	snop  }
0x7: {  	_ = 	snop  }
__scs_overlays_trampoline_lowered:
0x8: {  	[smem:$0x3FA2] =	sst s0  }
0x9: {  	[smem:$0x3FA3] =	sst s1  }
0xa: {  	[smem:$0x3FA4] =	sst s2  }
0xb: {  	[smem:$0x3FA5] =	sst s3  }
0xc: {  	[smem:$0x3FA6] =	sst s4  }
0xd: {  	[smem:$0x3FA7] =	sst s5  }
0xe: {  	[smem:$0x3FA8] =	sst s6  }
0xf: {  	[smem:$0x3FA9] =	sst s7  }
0x10: {  	[smem:$0x3FAA] =	sst s8  }
0x11: {  	[smem:$0x3FAB] =	sst s9;
	s0 =	simm.s32 @!p0 $0x0  }
0x12: {  	s1 =	sld [smem:$0x3F91];
	s0 =	simm.s32 @p0 $0x1  }
0x13: {  	[smem:$0x3FAC] =	sst s0;
	s0 =	simm.s32 @!p1 $0x0  }
0x14: {  	s2 =	sld [smem:$0x3F90];
	s0 =	simm.s32 @p1 $0x1  }
0x15: {  	[smem:$0x3FAD] =	sst s0;
	s0 =	simm.s32 @!p2 $0x0  }
0x16: {  	s3 =	sld [smem:$0x3FDB];
	s0 =	simm.s32 @p2 $0x1  }
0x17: {  	s4 =	simm.s32 $0x1BF5;
	[smem:$0x3FAF] =	sst s0  }
0x18: {  	s0 =	sld [smem:$0x3F92];
	_ =	swait.ge [sflag:s4], $0x0  }
0x19: {  	s7 =	sld [smem:$0x3F93]  }
0x1a: {  	s8 =	sadd.s32 $0xFFFFE003, lr  }
0x1b: {  	s9 =	sadd.s32 $0xFFFFFEF7, lr;
	s5 =	simm.s32 $0xFFFFFFFF;
	p2 =	slt.u32 s8, $0xFFFFF086  }
0x1c: {  	p1 =	slt.u32 s9, $0xF7A;
	s5 =	simm.s32 @!p2 $0x0  }
0x1d: {  	s5 =	simm.s32 @p1 $0x1;
	p0 =	seq.s32 s7, s2  }
0x1e: {  	s7 =	smul.u32 @!p0 $0xF7A, s2;
	p2 =	seq.s32 @!p0 s5, $0x0  }
0x1f: {  	s9 =	smul.u32 $0xF7A, s1;
	s8 =	simm.s32 @!p0 $0x1BF5;
	p2 =	por !p2, p0  }
0x20: {  	[sflag:s8] =	ssyncset.s32 @!p0 $0xFFFFF086;
	s6 =	sadd.s32 @!p0 s3, s7;
	s7 =	simm.s32 @!p0 $0x108  }
0x21: {  	s3 =	sadd.s32 s3, s9;
	s6 =	sadd.s32 @!p0 $0x88, s6;
	s7 =	simm.s32 @p2 $0x1082  }
0x22: {  	[simem:s7], [sflag:s8] =	dma.local @!p0 [hbm:s6], $0xF7A  }
0x23: {  	s9 =	sor.u32 $0xD0000000, s2;
	s6 =	simm.s32 $0x108;
	_ =	swait.ge @!p0 [sflag:s8], $0x0  }
0x24: {  	s3 =	sadd.s32 $0x88, s3;
	s6 =	simm.s32 @!p1 $0x1082;
	[sflag:s4] =	ssyncset.s32 $0xFFFFF086  }
0x25: {  	[simem:s6], [sflag:s4] =	dma.local [hbm:s3], $0xF7A  }
0x26: {  	[smem:$0x3F93] =	sst s1;
	(tag) =	ssettag s2;
	_ =	strace s9  }
0x27: {  	s1 =	sld [smem:$0x3FA3]  }
0x28: {  	s2 =	sld [smem:$0x3FA4]  }
0x29: {  	s4 =	sld [smem:$0x3FA6]  }
0x2a: {  	p0 =	seq.s32 s5, $0x0;
	s5 =	sld [smem:$0x3FA7]  }
0x2b: {  	s6 =	sld [smem:$0x3FA8]  }
0x2c: {  	s7 =	sld [smem:$0x3FA9]  }
0x2d: {  	s3 =	simm.s32 $0x108;
	s8 =	sld [smem:$0x3FAA]  }
0x2e: {  	s3 =	simm.s32 @!p0 $0x1082;
	s9 =	sld [smem:$0x3FAB]  }
0x2f: {  	lr =	sadd.s32 s0, s3;
	s0 =	sld [smem:$0x3FA2]  }
0x30: {  	s3 =	sld [smem:$0x3FA5]  }
0x31: {  	[smem:$0x3FAE] =	sst s10  }
0x32: {  	s10 =	sld [smem:$0x3FAC];
	_ =	sdelay $0x3  }
0x33: {  	p0 =	seq.s32 s10, $0x1;
	s10 =	sld [smem:$0x3FAE];
	_ =	sdelay $0x3  }
0x34: {  	[smem:$0x3FAE] =	sst s10  }
0x35: {  	s10 =	sld [smem:$0x3FAD];
	_ =	sdelay $0x3  }
0x36: {  	p1 =	seq.s32 s10, $0x1;
	s10 =	sld [smem:$0x3FAE];
	_ =	sdelay $0x3  }
0x37: {  	[smem:$0x3FAE] =	sst s10  }
0x38: {  	s10 =	sld [smem:$0x3FAF]  }
0x39: {  	_ = 	snop;
	(pc) =	sbr.ind lr, $3  }
0x3a: {  	_ = 	snop  }
0x3b: {  	_ = 	snop  }
0x3c: {  	p2 =	seq.s32 s10, $0x1;
	s10 =	sld [smem:$0x3FAE]  }
0x3d: {  	_ =	shalt  }
0x3e: {  	_ =	shalt  }
0x3f: {  	_ =	shalt  }
0x40: {  	_ =	shalt  }
0x41: {  	_ =	shalt  }
0x42: {  	_ =	shalt  }
0x43: {  	_ =	shalt  }
0x44: {  	_ =	shalt  }
0x45: {  	_ =	shalt  }
0x46: {  	_ =	shalt  }
0x47: {  	_ =	shalt  }
0x48: {  	_ =	shalt  }
0x49: {  	_ =	shalt  }
0x4a: {  	_ =	shalt  }
0x4b: {  	_ =	shalt  }
0x4c: {  	_ =	shalt  }
0x4d: {  	_ =	shalt  }
0x4e: {  	_ =	shalt  }
0x4f: {  	_ =	shalt  }
0x50: {  	_ =	shalt  }
0x51: {  	_ =	shalt  }
0x52: {  	_ =	shalt  }
0x53: {  	_ =	shalt  }
0x54: {  	_ =	shalt  }
0x55: {  	_ =	shalt  }
0x56: {  	_ =	shalt  }
0x57: {  	_ =	shalt  }
0x58: {  	_ =	shalt  }
0x59: {  	_ =	shalt  }
0x5a: {  	_ =	shalt  }
0x5b: {  	_ =	shalt  }
0x5c: {  	_ =	shalt  }
0x5d: {  	_ =	shalt  }
0x5e: {  	_ =	shalt  }
0x5f: {  	_ =	shalt  }
0x60: {  	_ =	shalt  }
0x61: {  	_ =	shalt  }
0x62: {  	_ =	shalt  }
0x63: {  	_ =	shalt  }
0x64: {  	_ =	shalt  }
0x65: {  	_ =	shalt  }
0x66: {  	_ =	shalt  }
0x67: {  	_ =	shalt  }
0x68: {  	_ =	shalt  }
0x69: {  	_ =	shalt  }
0x6a: {  	_ =	shalt  }
0x6b: {  	_ =	shalt  }
0x6c: {  	_ =	shalt  }
0x6d: {  	_ =	shalt  }
0x6e: {  	_ =	shalt  }
0x6f: {  	_ =	shalt  }
0x70: {  	_ =	shalt  }
0x71: {  	_ =	shalt  }
0x72: {  	_ =	shalt  }
0x73: {  	_ =	shalt  }
0x74: {  	_ =	shalt  }
0x75: {  	_ =	shalt  }
0x76: {  	_ =	shalt  }
0x77: {  	_ =	shalt  }
0x78: {  	_ =	shalt  }
0x79: {  	_ =	shalt  }
0x7a: {  	_ =	shalt  }
0x7b: {  	_ =	shalt  }
0x7c: {  	_ =	shalt  }
0x7d: {  	_ =	shalt  }
0x7e: {  	_ =	shalt  }
0x7f: {  	_ =	shalt  }
0x80: {  	_ =	shalt  }
0x81: {  	_ =	shalt  }
0x82: {  	_ =	shalt  }
0x83: {  	_ =	shalt  }
0x84: {  	_ =	shalt  }
0x85: {  	_ =	shalt  }
0x86: {  	_ =	shalt  }
0x87: {  	_ =	shalt  }
.Lfunc_end0:
.L_simem_size_0:
called_computation.3_lowered:
.L_overlay_start_0:
0x88: {  	s2 =	sld [smem:$0x3FD9]  }
0x89: {  	s3 =	sld [smem:$0x3FFE];
	_ =	sdelay $0x1  }
0x8a: {  	s1 =	srdreg.scid  }
0x8b: {  	s0 =	sand.u32 $0x1, s1  }
0x8c: {  	s17 =	sshll.u32 s0, $0xA;
	s2 =	sadd.s32 s3, s2  }
0x8d: {  	s2 =	sadd.s32 s2, s17  }
0x8e: {  	[smem:$0x3FBA] =	sst s2  }
0x8f: {  	_ = 	snop  }
0x90: {  	s2 =	sld [smem:$0x3FD0];
	(tm) =	ssettm $0x1  }
0x91: {  	s18 =	sld [smem:$0x3FFB];
	_ =	sdelay $0x3  }
0x92: {  	_ =	strace s18  }
0x93: {  	s3 =	sld [smem:$0x3FFC];
	_ =	sdelay $0x3  }
0x94: {  	_ =	strace s3  }
0x95: {  	s3 =	sld [smem:$0x3FFD];
	_ =	sdelay $0x3  }
0x96: {  	_ =	strace s3  }
0x97: {  	_ =	strace $0x8FFFFFFF  }
0x98: {  	s19 =	sld [smem:$0x3FDB];
	_ =	sdelay $0x1  }
0x99: {  	s4 =	simm.s32 $_scs_section_size  }
0x9a: {  	s5 =	simm.s32 $_size__tile_overlayer_lowered;
	s6 =	simm.s32 $_tile_overlayer_lowered  }
0x9b: {  	s22 =	simm.s32 $0x1BFF;
	s21 =	sshll.u32 s6, $0x1;
	s3 =	sadd.s32 s4, s19  }
0x9c: {  	s7 =	simm.s32 $0x0;
	s20 =	sshll.u32 s5, $0x1;
	s5 =	sadd.s32 s21, s3  }
0x9d: {  	[timem:s7], [sflag:s22] =	dma.local [hbm:s5], s20  }
0x9e: {  	_ =	swait.ge [sflag:s22], s20  }
0x9f: {  	s4 =	ssub.s32 $0x0, s20;
	[sflag:s22] =	ssyncset.done $0x0  }
0xa0: {  	[sflag:s22] =	ssyncadd.s32 s4;
	_ =	sdelay $0x1  }
0xa1: {  	s23 =	simm.s32 $0x1B8B  }
0xa2: {  	_ =	swait.ge [sflag:s23], $0x1  }
0xa3: {  	[sflag:s23] =	ssyncset.done $0x0  }
0xa4: {  	s25 =	simm.s32 $0x1B8E;
	s24 =	sld [smem:$0x3FFE];
	[sflag:s23] =	ssyncadd.s32 $0xFFFFFFFF  }
0xa5: {  	s26 =	simm.s32 $execute0_lowered;
	[smem:$0x3FD2] =	sst s25  }
0xa6: {  	s5 =	sshll.u32 s26, $0x1;
	_ =	strace $0x8000004F;
	[dreg:$0x1] =	wrdreg $0xFFFFFFFF  }
0xa7: {  	s28 =	simm.s32 $_size_execute0_lowered;
	s3 =	sadd.s32 s3, s5;
	[dreg:$0x0] =	wrdreg $0x0  }
0xa8: {  	s5 =	sshll.u32 s28, $0x1;
	[dreg:$0x2] =	wrdreg s3  }
0xa9: {  	[dreg:$0x3] =	wrdreg s5  }
0xaa: {  	[dreg:$0x4] =	wrdreg $0xC0  }
0xab: {  	_ =	task [dreg:s7], $0x5FFFF  }
0xac: {  	[dreg:$0x1] =	wrdreg $0xFFFFFFFF  }
0xad: {  	[dreg:$0x0] =	wrdreg $0x60  }
0xae: {  	[dreg:$0x2] =	wrdreg s2  }
0xaf: {  	[dreg:$0x3] =	wrdreg s24  }
0xb0: {  	[dreg:$0x4] =	wrdreg $0xA0000  }
0xb1: {  	[dreg:$0x5] =	wrdreg $0x9  }
0xb2: {  	_ =	task.clear_ibuf [dreg:s7], $0x6FFFF;
	_ =	strace $0x9000004F  }
0xb3: {  	s29 =	simm.s32 $0x9;
	_ =	strace $0x80000051  }
0xb4: {  	_ =	swait.ge [sflag:s29], $0x1  }
0xb5: {  	[sflag:s29] =	ssyncadd.s32 $0xFFFFFFFF  }
0xb6: {  	_ =	strace $0x90000051  }
0xb7: {  	_ =	sfence  }
0xb8: {  	s30 =	sld [smem:$0x0];
	_ =	sdelay $0x2  }
0xb9: {  	s31 =	sshll.u32 s1, $0xD;
	s1 =	sshrl.u32 s1, $0x2  }
0xba: {  	s3 =	sand.u32 $0x4000, s31;
	s1 =	sadd.s32 s1, s30  }
0xbb: {  	s0 =	sor.u32 s3, s0;
	s1 =	sshll.u32 s1, $0x11  }
0xbc: {  	s0 =	sor.u32 s1, s0  }
0xbd: {  	s0 =	sadd.s32 $0x8F2B, s0  }
0xbe: {  	[sflag:s0] =	ssyncadd.remote.s32 $0x1  }
0xbf: {  	_ =	sfence.sel $0xFFFF  }
0xc0: {  	[dreg:$0x0] =	wrdreg $0xFFFFFFFF;
	(pc) =	sbr.abs _section_cstart, $3  }
0xc1: {  	[dreg:$0x1] =	wrdreg $0xFFFFFFFF  }
0xc2: {  	_ =	task.clear_ibuf [dreg:s7], $0x2FFFF;
	_ =	strace $0x9FFFFFFF  }
0xc3: {  	(tm) =	ssettm $0x7FFFFFFF  }
tec
execute0_lowered:
.L_overlay_start_1:
0x0: {  	(tag) =	ssettag $0x1  }
0x1: {  	s1 =	rddreg [dreg:$0x0]  }
0x2: {  	s6 =	rddreg [dreg:$0x1]  }
0x3: {  	s0 =	srdreg.scid;
	s3 =	rddreg [dreg:$0x2]  }
0x4: {  	s2 =	rddreg [dreg:$0x3];
	s5 =	sand.u32 $0x1, s0  }
0x5: {  	s4 =	simm.s32 $0x0;
	s0 =	stileid.u32;
	s7 =	smul.u32 $0x30000, s5  }
0x6: {  	s11 =	simm.s32 $0x3000;
	s14 =	simm.s32 $0x80;
	s8 =	smul.u32 $0x3000, s0  }
0x7: {  	s15 =	simm.s32 $0x6000;
	[smem:$0x7FF] =	sst s4;
	s9 =	smul.u32 $0x13C000, s5  }
0x8: {  	s16 =	simm.s32 $0x0;
	s29 =	smul.u32 $0x13C00, s0;
	_ =	strace $0x80000050  }
0x9: {  	s30 =	ssub.s32 $0x2, s5;
	s10 =	smul.u32 $0x4F000, s0;
	s12 =	sshll.u32 s0, $0x6  }
0xa: {  	s5 =	sadd.s32 $0x1D400, s6;
	s31 =	sshrl.u32 s30, $0x1;
	s12 =	sor.u32 $0x1C01, s12  }
0xb: {  	s7 =	sadd.s32 s8, s7;
	s8 =	sadd.s32 s29, s9;
	s9 =	ssub.s32 s30, s31  }
0xc: {  	s10 =	sshrl.u32 s10, $0x2;
	s7 =	sshrl.u32 s7, $0x3;
	s8 =	sshrl.u32 s8, $0x3  }
0xd: {  	s13 =	sadd.s32 s10, s3;
	s9 =	smax.u32 s9, $0x1;
	s10 =	simm.s32 $0x1  }
0xe: {  	s7 =	sadd.s32 s7, s6;
	s8 =	sadd.s32 s8, s6;
	s13 =	sshrl.u32 s13, $0x3  }
0xf: {  	s6 =	sadd.s32 $0x11400, s7;
	s7 =	sadd.s32 $0x5400, s7;
	s8 =	sadd.s32 $0x1FC00, s8  }
.LBB2_1:
0x10: {  	[tilespmem:s4], [sflag:$0x1] =	stream.linear.gather [hbm4b:s6+s4], $0x3000, $0x38;
	[tilespmem:$0x1DC00] =	vst v63  }
0x11: {  	_ =	swait.ge [sflag:s10], $0x3000  }
0x12: {  	[sflag:s10] =	ssyncset.done $0x0  }
0x13: {  	[sflag:s10] =	ssyncadd.s32 $0xFFFFD000  }
0x14: {  	[tilespmem:s11], [sflag:$0x1] =	stream.linear.gather [hbm4b:s7+s4], $0x3000, $0x38;
	[tilespmem:$0x1DC00] =	vst v63  }
0x15: {  	_ =	swait.ge [sflag:s10], $0x3000  }
0x16: {  	[sflag:s10] =	ssyncset.done $0x0  }
0x17: {  	[sflag:s10] =	ssyncadd.s32 $0xFFFFD000  }
0x18: {  	[spmem:s13], [sflag:s12] =	dma.local [hbm:s5], $0x2780  }
0x19: {  	_ =	swait.ge [sflag:s10], $0x2780  }
0x1a: {  	[sflag:s10] =	ssyncset.done $0x0  }
0x1b: {  	[sflag:s10] =	ssyncadd.s32 $0xFFFFD880  }
0x1c: {  	s17 =	simm.s32 $0x0;
	[bflag:$0x0] =	sbarrier.arrive $0xFFFF  }
0x1d: {  	[tilespmem:s15], [sflag:$0x1] =	stream.indirect.gather [hbm4b:s1+s14], $0x80, s17, s14, $0xb8;
	[tilespmem:$0x1DC00] =	vst v63  }
0x1e: {  	_ =	swait.ge [sflag:s10], $0x4000  }
0x1f: {  	[sflag:s10] =	ssyncset.done $0x0  }
0x20: {  	s31 =	simm.s32 $0x3000;
	[sflag:s10] =	ssyncadd.s32 $0xFFFFC000  }
0x21: {  	[spmem:s3] =	stream.indirect.scatter.add.f32 [tilespmem:s15], [sflag:$0x1], $0x80, s31, s14, $0xb8;
	[tilespmem:$0x1DC00] =	vst v63  }
0x22: {  	_ =	swait.ge [sflag:s10], $0x4000  }
0x23: {  	s18 =	simm.s32 $0x400;
	s17 =	simm.s32 $0x200;
	[sflag:s10] =	ssyncset.done $0x0  }
.LBB2_2:
0x24: {  	s19 =	sshra.s32 s17, $0x2  }
0x25: {  	[sflag:s10] =	ssyncadd.s32 $0xFFFFC000;
	s17 =	smov.u32 s18;
	s20 =	sadd.s32 $0x200, s18  }
0x26: {  	[tilespmem:s15], [sflag:$0x1] =	stream.indirect.gather [hbm4b:s1+s14], $0x80, s19, s14, $0xb8;
	[tilespmem:$0x1DC00] =	vst v63  }
0x27: {  	p0 =	sne.s32 s18, $0xBE00;
	_ =	swait.ge [sflag:s10], $0x4000  }
.Ltmp0:
0x28: {  	[sflag:s10] =	ssyncset.done $0x0;
	(pc) =	sbr.rel @p0 .LBB2_2-.Ltmp0, $4  }
0x29: {  	s18 =	sadd.s32 $0x3000, s19;
	[sflag:s10] =	ssyncadd.s32 $0xFFFFC000  }
0x2a: {  	[spmem:s3] =	stream.indirect.scatter.add.f32 [tilespmem:s15], [sflag:$0x1], $0x80, s18, s14, $0xb8;
	[tilespmem:$0x1DC00] =	vst v63  }
0x2b: {  	_ =	swait.ge [sflag:s10], $0x4000  }
0x2c: {  	s18 =	smov.u32 s20;
	[sflag:s10] =	ssyncset.done $0x0  }
0x2d: {  	s17 =	sshra.s32 s17, $0x2;
	[sflag:s10] =	ssyncadd.s32 $0xFFFFC000  }
0x2e: {  	[tilespmem:s15], [sflag:$0x1] =	stream.indirect.gather [hbm4b:s1+s14], $0x80, s17, s14, $0xb8;
	[tilespmem:$0x1DC00] =	vst v63  }
0x2f: {  	_ =	swait.ge [sflag:s10], $0x4000  }
0x30: {  	[sflag:s10] =	ssyncset.done $0x0  }
0x31: {  	s17 =	sadd.s32 $0x3000, s17;
	[sflag:s10] =	ssyncadd.s32 $0xFFFFC000  }
0x32: {  	[spmem:s3] =	stream.indirect.scatter.add.f32 [tilespmem:s15], [sflag:$0x1], $0x80, s17, s14, $0xb8;
	[tilespmem:$0x1DC00] =	vst v63  }
0x33: {  	_ =	swait.ge [sflag:s10], $0x4000  }
0x34: {  	s16 =	sadd.s32 $0x1, s16;
	[sflag:s10] =	ssyncset.done $0x0  }
0x35: {  	p0 =	sne.s32 s16, s9;
	[sflag:s10] =	ssyncadd.s32 $0xFFFFC000  }
.Ltmp1:
0x36: {  	[bflag:$0x0] =	sbarrier.arrive $0xFFFF;
	(pc) =	sbr.rel @p0 .LBB2_1-.Ltmp1, $4  }
0x37: {  	[hbm:s8], [sflag:s12] =	dma.local [spmem:s13], $0x2780  }
0x38: {  	_ =	swait.ge [sflag:s10], $0x2780  }
0x39: {  	[sflag:s10] =	ssyncset.done $0x0  }
0x3a: {  	[sflag:s10] =	ssyncadd.s32 $0xFFFFD880  }
0x3b: {  	_ =	sfence.sel $0x180000  }
0x3c: {  	[bflag:$0x0] =	sbarrier.arrive $0xFFFF  }
0x3d: {  	p0 =	sne.s32 s0, $0x0;
	_ =	strace $0x90000050  }
0x3e: {  	s0 =	sadd.s32 @!p0 $0x100000, s2;
	[bflag:$0x2] =	sbarrier.arrive $0xFFFF  }
0x3f: {  	[sflag:s0] =	ssyncadd.tile.s32 @!p0 $0x1;
	_ =	shalt  }
.Lfunc_end2:
_tile_overlayer_lowered:
.L_overlay_start_2:
0x40: {  	(tag) =	ssettag $0x2  }
0x41: {  	s0 =	rddreg [dreg:$0x0];
	s2 =	stileid.u32  }
0x42: {  	s1 =	rddreg [dreg:$0x1];
	p0 =	sne.s32 s2, $0x0  }
0x43: {  	s3 =	rddreg [dreg:$0x2];
	[bflag:$0x3] =	sbarrier.arrive $0xFFFF;
	s2 =	simm.s32 @!p0 $0x1C01  }
0x44: {  	[timem:s3], [sflag:s2] =	dma.local @!p0 [hbm:s0], s1  }
0x45: {  	s0 =	simm.s32 @!p0 $0x1  }
0x46: {  	_ =	swait.ge @!p0 [sflag:s0], s1  }
0x47: {  	s1 =	ssub.s32 @!p0 $0x0, s1;
	[sflag:s0] =	ssyncset.done @!p0 $0x0  }
0x48: {  	[sflag:s0] =	ssyncadd.s32 @!p0 s1  }
0x49: {  	[bflag:$0x3] =	sbarrier.arrive $0xFFFF  }
0x4a: {  	_ =	shalt  }

</sc_bundles>
